<compile_context>
chip_gen: v7x
topology: tpu7x:2x2x1
jax: 0.10.2.dev20260603
libtpu: 0.0.44.dev20260713+nightly
codegen_flags: <defaults>
</compile_context>

<pallas_src>
import functools

import jax
import jax.numpy as jnp
from jax import lax
from jax.experimental import pallas as pl
from jax.experimental.pallas import tpu as pltpu
from jax.experimental.pallas import tpu_sc as plsc

NC = 2
NS = 16
NW = NC * NS


def _make_gather(n, e, d, ch, dtype):
    e_per_w = e // NW
    n_chunks = e_per_w // ch
    mesh = plsc.VectorSubcoreMesh(core_axis_name="c", subcore_axis_name="s")

    @functools.partial(
        pl.kernel,
        mesh=mesh,
        out_type=jax.ShapeDtypeStruct((e, d), dtype),
        scratch_types=[
            pltpu.VMEM((ch,), jnp.int32),
            pltpu.VMEM((ch, d), dtype),
            pltpu.SemaphoreType.DMA,
        ],
    )
    def gather_k(x_hbm, row_hbm, out_hbm, idx_v, rows_v, sem):
        wid = lax.axis_index("s") * NC + lax.axis_index("c")
        base = wid * e_per_w

        def body(i, carry):
            off = base + i * ch
            pltpu.sync_copy(row_hbm.at[pl.ds(off, ch)], idx_v)
            pltpu.async_copy(x_hbm.at[idx_v], rows_v, sem).wait()
            pltpu.sync_copy(rows_v, out_hbm.at[pl.ds(off, ch)])
            return carry

        lax.fori_loop(0, n_chunks, body, 0)

    return gather_k


def _edge_body(xg_ref, ea_ref, row_ref, col_ref,
               wox_ref, woe_ref, bo1_ref, wo2_ref, bo2_ref,
               wix_ref, wie_ref, bi1_ref, wi2_ref, bi2_ref,
               out_ref):
    xg = xg_ref[...].astype(jnp.bfloat16)
    ea = ea_ref[...]
    r = row_ref[...]
    c = col_ref[...]
    out_m = (r < c).astype(jnp.float32)
    in_m = (r > c).astype(jnp.float32)

    h_o = jnp.maximum(
        jnp.dot(xg, wox_ref[...], preferred_element_type=jnp.float32)
        + jnp.dot(ea, woe_ref[...], preferred_element_type=jnp.float32)
        + bo1_ref[...], 0.0).astype(xg.dtype)
    f_o = (jnp.dot(h_o, wo2_ref[...], preferred_element_type=jnp.float32)
           + bo2_ref[...]) * out_m

    h_i = jnp.maximum(
        jnp.dot(xg, wix_ref[...], preferred_element_type=jnp.float32)
        + jnp.dot(ea, wie_ref[...], preferred_element_type=jnp.float32)
        + bi1_ref[...], 0.0).astype(xg.dtype)
    f_i = (jnp.dot(h_i, wi2_ref[...], preferred_element_type=jnp.float32)
           + bi2_ref[...]) * in_m

    out_ref[0] = f_i[:, :128]
    out_ref[1] = f_i[:, 128:]
    out_ref[2] = f_o[:, :128]
    out_ref[3] = f_o[:, 128:]


def _make_edge(e, d, de, h, te, interpret=False):
    grid = (e // te,)
    full = lambda shape: pl.BlockSpec(shape, lambda i: tuple(0 for _ in shape))
    return pl.pallas_call(
        _edge_body,
        grid=grid,
        in_specs=[
            pl.BlockSpec((te, d), lambda i: (i, 0)),
            pl.BlockSpec((te, de), lambda i: (i, 0)),
            pl.BlockSpec((te, 1), lambda i: (i, 0)),
            pl.BlockSpec((te, 1), lambda i: (i, 0)),
            full((d, h)), full((de, h)), full((1, h)), full((h, h)), full((1, h)),
            full((d, h)), full((de, h)), full((1, h)), full((h, h)), full((1, h)),
        ],
        out_specs=pl.BlockSpec((4, te, 128), lambda i: (0, i, 0)),
        out_shape=jax.ShapeDtypeStruct((4, e, 128), jnp.float32),
        interpret=interpret,
    )


def _make_scatter(n, e, tb, zr):
    e_per_t = e // NS
    n_iters = e_per_t // tb
    n_per_t = n // NS
    n_zcopy = n_per_t // zr
    mesh = plsc.VectorSubcoreMesh(core_axis_name="c", subcore_axis_name="s")

    @functools.partial(
        pl.kernel,
        mesh=mesh,
        out_type=jax.ShapeDtypeStruct((4, n, 128), jnp.float32),
        scratch_types=[
            pltpu.VMEM((tb,), jnp.int32),
            pltpu.VMEM((tb, 128), jnp.float32),
            pltpu.VMEM((zr, 128), jnp.float32),
            pltpu.VMEM_SHARED((n, 128), jnp.float32),
        ],
    )
    def scatter_k(f4_hbm, row_hbm, agg_hbm, idx_v, val_v, zero_v, acc_sh):
        cid = lax.axis_index("c")
        sid = lax.axis_index("s")

        def zfill(i, carry):
            zrow = i // 8
            zcol = (i % 8) * 16
            zero_v[zrow, pl.ds(zcol, 16)] = jnp.zeros((16,), jnp.float32)
            return carry

        lax.fori_loop(0, zr * 8, zfill, 0)

        for j in range(2):
            k = cid * 2 + j
            def zcopy(i, carry):
                off = sid * n_per_t + i * zr
                pltpu.sync_copy(zero_v, acc_sh.at[pl.ds(off, zr)])
                return carry

            lax.fori_loop(0, n_zcopy, zcopy, 0)
            plsc.subcore_barrier()

            def body(i, carry):
                off = sid * e_per_t + i * tb
                pltpu.sync_copy(row_hbm.at[pl.ds(off, tb)], idx_v)
                pltpu.sync_copy(f4_hbm.at[k, pl.ds(off, tb)], val_v)
                pltpu.sync_copy(val_v, acc_sh.at[idx_v], add=True)
                return carry

            lax.fori_loop(0, n_iters, body, 0)
            plsc.subcore_barrier()

            pltpu.sync_copy(acc_sh.at[pl.ds(sid * n_per_t, n_per_t)],
                            agg_hbm.at[k, pl.ds(sid * n_per_t, n_per_t)])
            plsc.subcore_barrier()

    return scatter_k


def _node_body(agg_ref, wn1_ref, bn1_ref, wn2_ref, bn2_ref, out_ref):
    acc = jnp.dot(agg_ref[0], wn1_ref[0], preferred_element_type=jnp.float32)
    for k in range(1, 4):
        acc = acc + jnp.dot(agg_ref[k], wn1_ref[k],
                            preferred_element_type=jnp.float32)
    hh = jnp.maximum(acc + bn1_ref[...], 0.0)
    out_ref[...] = (jnp.dot(hh, wn2_ref[...], preferred_element_type=jnp.float32)
                    + bn2_ref[...])


def _make_node(n, h, tn, interpret=False):
    full = lambda shape: pl.BlockSpec(shape, lambda i: tuple(0 for _ in shape))
    return pl.pallas_call(
        _node_body,
        grid=(n // tn,),
        in_specs=[
            pl.BlockSpec((4, tn, 128), lambda i: (0, i, 0)),
            full((4, 128, h)), full((1, h)), full((h, h)), full((1, h)),
        ],
        out_specs=pl.BlockSpec((tn, h), lambda i: (i, 0)),
        out_shape=jax.ShapeDtypeStruct((n, h), jnp.float32),
        interpret=interpret,
    )


def kernel(x, edge_index, edge_attr, Wo1, bo1, Wo2, bo2,
           Wi1, bi1, Wi2, bi2, Wn1, bn1, Wn2, bn2):
    n, d = x.shape
    e = edge_index.shape[1]
    de = edge_attr.shape[1]
    h = Wo2.shape[0]

    row = edge_index[0]
    col = edge_index[1]
    row2 = row.reshape(e, 1)
    col2 = col.reshape(e, 1)
    bf = jnp.bfloat16

    xg = _make_gather(n, e, d, ch=200, dtype=jnp.float32)(x, row)

    f4 = _make_edge(e, d, de, h, te=640)(
        xg, edge_attr.astype(bf), row2, col2,
        Wo1[:d].astype(bf), Wo1[d:].astype(bf), bo1.reshape(1, h),
        Wo2.astype(bf), bo2.reshape(1, h),
        Wi1[:d].astype(bf), Wi1[d:].astype(bf), bi1.reshape(1, h),
        Wi2.astype(bf), bi2.reshape(1, h))

    n_pad = -(-n // 10240) * 10240
    agg4 = _make_scatter(n_pad, e, tb=200, zr=40)(f4, row)

    out_pad = _make_node(n_pad, h, tn=1024)(
        agg4, Wn1.reshape(4, 128, h), bn1.reshape(1, h), Wn2, bn2.reshape(1, h))
    out_pad, _, _, _ = lax.optimization_barrier((out_pad, xg, f4, agg4))
    return out_pad[:n]

# --- scband reference (transcript-rebuilt; emitter-appended) ---
"""Pipeline reference for scband-time-aware-node-model-59313498358413 (READ-ONLY COPY).

The authoritative reference and input builder live on the scoring server;
editing this copy changes nothing except your own understanding.
"""

import jax, jax.numpy as jnp
import numpy as np

N = 10000
E = 160000
D = 256
DE = 16
H = 256


def _mlp(h, W1, b1, W2, b2):
    h = jnp.maximum(jnp.dot(h, W1) + b1, 0.0)
    return jnp.dot(h, W2) + b2


def setup_inputs(seed: int = 0) -> dict:
    key = jax.random.key(seed)
    ks = jax.random.split(key, 16)
    x = jax.random.normal(ks[0], (N, D), dtype=jnp.float32)
    edge_index = jax.random.randint(ks[1], (2, E), 0, N, dtype=jnp.int32)
    edge_attr = jax.random.normal(ks[2], (E, DE), dtype=jnp.float32)
    s_in = 1.0 / np.sqrt(D + DE)
    s_h = 1.0 / np.sqrt(H)
    s_n = 1.0 / np.sqrt(2 * H)
    Wo1 = jax.random.uniform(ks[3], (D + DE, H), jnp.float32, -s_in, s_in)
    bo1 = jnp.zeros((H,), jnp.float32)
    Wo2 = jax.random.uniform(ks[4], (H, H), jnp.float32, -s_h, s_h)
    bo2 = jnp.zeros((H,), jnp.float32)
    Wi1 = jax.random.uniform(ks[5], (D + DE, H), jnp.float32, -s_in, s_in)
    bi1 = jnp.zeros((H,), jnp.float32)
    Wi2 = jax.random.uniform(ks[6], (H, H), jnp.float32, -s_h, s_h)
    bi2 = jnp.zeros((H,), jnp.float32)
    Wn1 = jax.random.uniform(ks[7], (2 * H, H), jnp.float32, -s_n, s_n)
    bn1 = jnp.zeros((H,), jnp.float32)
    Wn2 = jax.random.uniform(ks[8], (H, H), jnp.float32, -s_h, s_h)
    bn2 = jnp.zeros((H,), jnp.float32)
    return {"x": x, "edge_index": edge_index, "edge_attr": edge_attr,
            "Wo1": Wo1, "bo1": bo1, "Wo2": Wo2, "bo2": bo2,
            "Wi1": Wi1, "bi1": bi1, "Wi2": Wi2, "bi2": bi2,
            "Wn1": Wn1, "bn1": bn1, "Wn2": Wn2, "bn2": bn2}


def reference(x, edge_index, edge_attr, Wo1, bo1, Wo2, bo2, Wi1, bi1, Wi2, bi2, Wn1, bn1, Wn2, bn2):
    row = edge_index[0]
    col = edge_index[1]
    # time_aware split (fixed-shape masks over all edges)
    out_mask = (row < col)[:, None]
    in_mask = (row > col)[:, None]
    edge_input = jnp.concatenate([x[row], edge_attr], axis=1)
    flow_out = jnp.where(out_mask, _mlp(edge_input, Wo1, bo1, Wo2, bo2), 0.0)
    flow_in = jnp.where(in_mask, _mlp(edge_input, Wi1, bi1, Wi2, bi2), 0.0)
    flow_out_agg = jax.ops.segment_sum(flow_out, row, num_segments=N)
    flow_in_agg = jax.ops.segment_sum(flow_in, row, num_segments=N)
    flow = jnp.concatenate([flow_in_agg, flow_out_agg], axis=1)
    return _mlp(flow, Wn1, bn1, Wn2, bn2)

if __name__ == "__main__":
    import jax
    _d = setup_inputs()
    print(jax.jit(kernel)(*tuple(_d.values())))

</pallas_src>

<mosaic_0001>
#map = affine_map<(d0, d1) -> (0, 0)>
#map1 = affine_map<(d0, d1) -> (0)>
module attributes {stable_mosaic.version = 14 : i64} {
  func.func @gather_k(%arg0: i32, %arg1: i32, %arg2: memref<10000x256xf32, #tpu.memory_space<hbm>>, %arg3: memref<160000xi32, #tpu.memory_space<hbm>>, %arg4: memref<160000x256xf32, #tpu.memory_space<hbm>>, %arg5: memref<200xi32, #tpu.memory_space<vmem>>, %arg6: memref<200x256xf32, #tpu.memory_space<vmem>>, %arg7: memref<!tpu.dma_semaphore, #tpu.memory_space<semaphore_mem>>) attributes {dimension_semantics = [#tpu.dimension_semantics<core_parallel>, #tpu.dimension_semantics<subcore_parallel>], iteration_bounds = array<i64: 2, 16>, scalar_prefetch = 0 : i64, scratch_operands = 3 : i64, tpu.core_type = #tpu.core_type<sc_vector_subcore>, window_params = [{transform_indices = #map}, {transform_indices = #map1}, {transform_indices = #map}]} {
    %mul3A = arith.constant 2 : i32
    %mul3A_0 = arith.muli %arg1, %mul3A : i32
    %add3A = arith.addi %mul3A_0, %arg0 : i32
    %mul3A_1 = arith.constant 5000 : i32
    %mul3A_2 = arith.muli %add3A, %mul3A_1 : i32
    %scan3A = arith.constant 0 : i32
    %scan3A_3 = arith.constant 0 : i32
    %scan3A_4 = arith.constant 25 : i32
    %scan3A_5 = arith.addi %scan3A_3, %scan3A_4 : i32
    %scan3A_6 = arith.constant 1 : i32
    scf.for %scan3A_8 = %scan3A_3 to %scan3A_5 step %scan3A_6  : i32 {
      %mul3A_9 = arith.constant 200 : i32
      %mul3A_10 = arith.muli %scan3A_8, %mul3A_9 : i32
      %add3A_11 = arith.addi %mul3A_2, %mul3A_10 : i32
      "tpu.region"() ({
        %run_scoped3A = tpu.sem_alloc : memref<!tpu.dma_semaphore, #tpu.memory_space<semaphore_mem>>
        %dma_start3A_16 = tpu.memref_slice %arg3[%add3A_11] : memref<160000xi32, #tpu.memory_space<hbm>> -> memref<200xi32, #tpu.memory_space<hbm>>
        %dma_start3A_17 = tpu.memref_slice %arg3[%add3A_11] : memref<160000xi32, #tpu.memory_space<hbm>> -> memref<200xi32, #tpu.memory_space<hbm>>
        tpu.enqueue_dma source(%dma_start3A_17 : memref<200xi32, #tpu.memory_space<hbm>>) target(%arg5 : memref<200xi32, #tpu.memory_space<vmem>>) target_semaphore(%run_scoped3A : memref<!tpu.dma_semaphore, #tpu.memory_space<semaphore_mem>>)
        %dma_wait3A_18 = tpu.memref_slice %arg3[%add3A_11] : memref<160000xi32, #tpu.memory_space<hbm>> -> memref<200xi32, #tpu.memory_space<hbm>>
        %dma_wait3A_19 = tpu.memref_slice %arg3[%add3A_11] : memref<160000xi32, #tpu.memory_space<hbm>> -> memref<200xi32, #tpu.memory_space<hbm>>
        tpu.wait_dma2 semaphore(%run_scoped3A : memref<!tpu.dma_semaphore, #tpu.memory_space<semaphore_mem>>) src(%dma_wait3A_19 : memref<200xi32, #tpu.memory_space<hbm>>) dst(%arg5 : memref<200xi32, #tpu.memory_space<vmem>>)
        tpu.yield
      }) : () -> ()
      %dma_start3A = arith.constant 0 : i32
      %dma_start3A_12 = arith.constant 0 : i32
      %dma_start3A_13 = tpu.memref_slice %arg2[%dma_start3A, %dma_start3A_12] : memref<10000x256xf32, #tpu.memory_space<hbm>> -> memref<10000x256xf32, #tpu.memory_space<hbm>>
      tpu.enqueue_indirect_dma source(%dma_start3A_13 : memref<10000x256xf32, #tpu.memory_space<hbm>>) target(%arg6 : memref<200x256xf32, #tpu.memory_space<vmem>>) offsets(%arg5 : memref<200xi32, #tpu.memory_space<vmem>>) semaphore(%arg7 : memref<!tpu.dma_semaphore, #tpu.memory_space<semaphore_mem>>)
      %dma_wait3A = arith.constant 0 : i32
      %dma_wait3A_14 = arith.constant 0 : i32
      %dma_wait3A_15 = tpu.memref_slice %arg2[%dma_wait3A, %dma_wait3A_14] : memref<10000x256xf32, #tpu.memory_space<hbm>> -> memref<10000x256xf32, #tpu.memory_space<hbm>>
      tpu.wait_indirect_dma semaphore(%arg7 : memref<!tpu.dma_semaphore, #tpu.memory_space<semaphore_mem>>) src(%dma_wait3A_15 : memref<10000x256xf32, #tpu.memory_space<hbm>>) dst(%arg6 : memref<200x256xf32, #tpu.memory_space<vmem>>)
      "tpu.region"() ({
        %run_scoped3A = tpu.sem_alloc : memref<!tpu.dma_semaphore, #tpu.memory_space<semaphore_mem>>
        %dma_start3A_16 = arith.constant 0 : i32
        %dma_start3A_17 = tpu.memref_slice %arg4[%add3A_11, %dma_start3A_16] : memref<160000x256xf32, #tpu.memory_space<hbm>> -> memref<200x256xf32, #tpu.memory_space<hbm>>
        %dma_start3A_18 = arith.constant 0 : i32
        %dma_start3A_19 = tpu.memref_slice %arg4[%add3A_11, %dma_start3A_18] : memref<160000x256xf32, #tpu.memory_space<hbm>> -> memref<200x256xf32, #tpu.memory_space<hbm>>
        tpu.enqueue_dma source(%arg6 : memref<200x256xf32, #tpu.memory_space<vmem>>) target(%dma_start3A_19 : memref<200x256xf32, #tpu.memory_space<hbm>>) target_semaphore(%run_scoped3A : memref<!tpu.dma_semaphore, #tpu.memory_space<semaphore_mem>>)
        %dma_wait3A_20 = arith.constant 0 : i32
        %dma_wait3A_21 = tpu.memref_slice %arg4[%add3A_11, %dma_wait3A_20] : memref<160000x256xf32, #tpu.memory_space<hbm>> -> memref<200x256xf32, #tpu.memory_space<hbm>>
        %dma_wait3A_22 = arith.constant 0 : i32
        %dma_wait3A_23 = tpu.memref_slice %arg4[%add3A_11, %dma_wait3A_22] : memref<160000x256xf32, #tpu.memory_space<hbm>> -> memref<200x256xf32, #tpu.memory_space<hbm>>
        tpu.wait_dma2 semaphore(%run_scoped3A : memref<!tpu.dma_semaphore, #tpu.memory_space<semaphore_mem>>) src(%arg6 : memref<200x256xf32, #tpu.memory_space<vmem>>) dst(%dma_wait3A_23 : memref<200x256xf32, #tpu.memory_space<hbm>>)
        tpu.yield
      }) : () -> ()
    }
    %scan3A_7 = arith.constant 25 : i32
    return
  }
}

#map = affine_map<(d0, d1) -> (0, 0, 0)>
#map1 = affine_map<(d0, d1) -> (0)>
module attributes {stable_mosaic.version = 14 : i64} {
  func.func @scatter_k(%arg0: i32, %arg1: i32, %arg2: memref<4x160000x128xf32, #tpu.memory_space<hbm>>, %arg3: memref<160000xi32, #tpu.memory_space<hbm>>, %arg4: memref<4x10240x128xf32, #tpu.memory_space<hbm>>, %arg5: memref<200xi32, #tpu.memory_space<vmem>>, %arg6: memref<200x128xf32, #tpu.memory_space<vmem>>, %arg7: memref<40x128xf32, #tpu.memory_space<vmem>>, %arg8: memref<10240x128xf32, #tpu.memory_space<vmem_shared>>) attributes {dimension_semantics = [#tpu.dimension_semantics<core_parallel>, #tpu.dimension_semantics<subcore_parallel>], iteration_bounds = array<i64: 2, 16>, scalar_prefetch = 0 : i64, scratch_operands = 4 : i64, tpu.core_type = #tpu.core_type<sc_vector_subcore>, window_params = [{transform_indices = #map}, {transform_indices = #map1}, {transform_indices = #map}]} {
    %scan3A = arith.constant 0 : i32
    %scan3A_0 = arith.constant 0 : i32
    %scan3A_1 = arith.constant 320 : i32
    %scan3A_2 = arith.addi %scan3A_0, %scan3A_1 : i32
    %scan3A_3 = arith.constant 1 : i32
    scf.for %scan3A_48 = %scan3A_0 to %scan3A_2 step %scan3A_3  : i32 {
      %jit3A = arith.constant 8 : i32
      %div3A = arith.divsi %scan3A_48, %jit3A : i32
      %sign3A = arith.constant 0 : i32
      %sign3A_49 = arith.cmpi sgt, %scan3A_48, %sign3A : i32
      %sign3A_50 = arith.extui %sign3A_49 : i1 to i32
      %sign3A_51 = arith.constant 0 : i32
      %sign3A_52 = arith.cmpi slt, %scan3A_48, %sign3A_51 : i32
      %sign3A_53 = arith.extui %sign3A_52 : i1 to i32
      %sign3A_54 = arith.subi %sign3A_50, %sign3A_53 : i32
      %sign3A_55 = arith.constant 0 : i32
      %sign3A_56 = arith.cmpi sgt, %jit3A, %sign3A_55 : i32
      %sign3A_57 = arith.extui %sign3A_56 : i1 to i32
      %sign3A_58 = arith.constant 0 : i32
      %sign3A_59 = arith.cmpi slt, %jit3A, %sign3A_58 : i32
      %sign3A_60 = arith.extui %sign3A_59 : i1 to i32
      %sign3A_61 = arith.subi %sign3A_57, %sign3A_60 : i32
      %ne3A = arith.cmpi ne, %sign3A_54, %sign3A_61 : i32
      %rem3A = arith.remsi %scan3A_48, %jit3A : i32
      %ne3A_62 = arith.constant 0 : i32
      %ne3A_63 = arith.cmpi ne, %rem3A, %ne3A_62 : i32
      %and3A = arith.andi %ne3A, %ne3A_63 : i1
      %sub3A = arith.constant 1 : i32
      %sub3A_64 = arith.subi %div3A, %sub3A : i32
      %select_n3A = arith.select %and3A, %sub3A_64, %div3A : i32
      %jit3A_65 = arith.constant 8 : i32
      %eq3A = arith.constant 0 : i32
      %eq3A_66 = arith.cmpi eq, %jit3A_65, %eq3A : i32
      %jit3A_67 = arith.constant 1 : i32
      %select_n3A_68 = arith.select %eq3A_66, %jit3A_67, %jit3A_65 : i32
      %rem3A_69 = arith.remsi %scan3A_48, %select_n3A_68 : i32
      %ne3A_70 = arith.constant 0 : i32
      %ne3A_71 = arith.cmpi ne, %rem3A_69, %ne3A_70 : i32
      %lt3A = arith.constant 0 : i32
      %lt3A_72 = arith.cmpi slt, %rem3A_69, %lt3A : i32
      %lt3A_73 = arith.constant 0 : i32
      %lt3A_74 = arith.cmpi slt, %select_n3A_68, %lt3A_73 : i32
      %ne3A_75 = arith.xori %lt3A_72, %lt3A_74 : i1
      %and3A_76 = arith.andi %ne3A_75, %ne3A_71 : i1
      %add3A_77 = arith.addi %rem3A_69, %select_n3A_68 : i32
      %select_n3A_78 = arith.select %and3A_76, %add3A_77, %rem3A_69 : i32
      %mul3A_79 = arith.constant 16 : i32
      %mul3A_80 = arith.muli %select_n3A_78, %mul3A_79 : i32
      %broadcast_in_dim3A = arith.constant 0.000000e+00 : f32
      %broadcast_in_dim3A_81 = vector.broadcast %broadcast_in_dim3A : f32 to vector<16xf32>
      %swap3A = arith.index_cast %select_n3A : i32 to index
      %swap3A_82 = arith.index_cast %mul3A_80 : i32 to index
      %swap3A_83 = tpu.vector_load %arg7[%swap3A, %swap3A_82] {strides = array<i32>} : memref<40x128xf32, #tpu.memory_space<vmem>>, vector<1x16xf32>,
      %swap3A_84 = vector.shape_cast %swap3A_83 : vector<1x16xf32> to vector<16xf32>
      %swap3A_85 = vector.shape_cast %broadcast_in_dim3A_81 : vector<16xf32> to vector<1x16xf32>
      tpu.vector_store %arg7[%swap3A, %swap3A_82], %swap3A_85 {strides = array<i32>} : memref<40x128xf32, #tpu.memory_space<vmem>>, vector<1x16xf32>,
    }
    %scan3A_4 = arith.constant 320 : i32
    %mul3A = arith.constant 2 : i32
    %mul3A_5 = arith.muli %arg0, %mul3A : i32
    %add3A = arith.constant 0 : i32
    %add3A_6 = arith.addi %mul3A_5, %add3A : i32
    %scan3A_7 = arith.constant 0 : i32
    %scan3A_8 = arith.constant 0 : i32
    %scan3A_9 = arith.constant 16 : i32
    %scan3A_10 = arith.addi %scan3A_8, %scan3A_9 : i32
    %scan3A_11 = arith.constant 1 : i32
    scf.for %scan3A_48 = %scan3A_8 to %scan3A_10 step %scan3A_11  : i32 {
      %mul3A_49 = arith.constant 640 : i32
      %mul3A_50 = arith.muli %arg1, %mul3A_49 : i32
      %mul3A_51 = arith.constant 40 : i32
      %mul3A_52 = arith.muli %scan3A_48, %mul3A_51 : i32
      %add3A_53 = arith.addi %mul3A_50, %mul3A_52 : i32
      "tpu.region"() ({
        %run_scoped3A = tpu.sem_alloc : memref<!tpu.dma_semaphore, #tpu.memory_space<semaphore_mem>>
        %dma_start3A = arith.constant 0 : i32
        %dma_start3A_54 = tpu.memref_slice %arg8[%add3A_53, %dma_start3A] : memref<10240x128xf32, #tpu.memory_space<vmem_shared>> -> memref<40x128xf32, #tpu.memory_space<vmem_shared>>
        %dma_start3A_55 = arith.constant 0 : i32
        %dma_start3A_56 = tpu.memref_slice %arg8[%add3A_53, %dma_start3A_55] : memref<10240x128xf32, #tpu.memory_space<vmem_shared>> -> memref<40x128xf32, #tpu.memory_space<vmem_shared>>
        tpu.enqueue_dma source(%arg7 : memref<40x128xf32, #tpu.memory_space<vmem>>) target(%dma_start3A_56 : memref<40x128xf32, #tpu.memory_space<vmem_shared>>) target_semaphore(%run_scoped3A : memref<!tpu.dma_semaphore, #tpu.memory_space<semaphore_mem>>)
        %dma_wait3A = arith.constant 0 : i32
        %dma_wait3A_57 = tpu.memref_slice %arg8[%add3A_53, %dma_wait3A] : memref<10240x128xf32, #tpu.memory_space<vmem_shared>> -> memref<40x128xf32, #tpu.memory_space<vmem_shared>>
        %dma_wait3A_58 = arith.constant 0 : i32
        %dma_wait3A_59 = tpu.memref_slice %arg8[%add3A_53, %dma_wait3A_58] : memref<10240x128xf32, #tpu.memory_space<vmem_shared>> -> memref<40x128xf32, #tpu.memory_space<vmem_shared>>
        tpu.wait_dma2 semaphore(%run_scoped3A : memref<!tpu.dma_semaphore, #tpu.memory_space<semaphore_mem>>) src(%arg7 : memref<40x128xf32, #tpu.memory_space<vmem>>) dst(%dma_wait3A_59 : memref<40x128xf32, #tpu.memory_space<vmem_shared>>)
        tpu.yield
      }) : () -> ()
    }
    %scan3A_12 = arith.constant 16 : i32
    %barrier3A = arith.constant 0 : index
    tpu.barrier barrier_id(%barrier3A)
    %scan3A_13 = arith.constant 0 : i32
    %scan3A_14 = arith.constant 0 : i32
    %scan3A_15 = arith.constant 50 : i32
    %scan3A_16 = arith.addi %scan3A_14, %scan3A_15 : i32
    %scan3A_17 = arith.constant 1 : i32
    scf.for %scan3A_48 = %scan3A_14 to %scan3A_16 step %scan3A_17  : i32 {
      %mul3A_49 = arith.constant 10000 : i32
      %mul3A_50 = arith.muli %arg1, %mul3A_49 : i32
      %mul3A_51 = arith.constant 200 : i32
      %mul3A_52 = arith.muli %scan3A_48, %mul3A_51 : i32
      %add3A_53 = arith.addi %mul3A_50, %mul3A_52 : i32
      "tpu.region"() ({
        %run_scoped3A = tpu.sem_alloc : memref<!tpu.dma_semaphore, #tpu.memory_space<semaphore_mem>>
        %dma_start3A = tpu.memref_slice %arg3[%add3A_53] : memref<160000xi32, #tpu.memory_space<hbm>> -> memref<200xi32, #tpu.memory_space<hbm>>
        %dma_start3A_54 = tpu.memref_slice %arg3[%add3A_53] : memref<160000xi32, #tpu.memory_space<hbm>> -> memref<200xi32, #tpu.memory_space<hbm>>
        tpu.enqueue_dma source(%dma_start3A_54 : memref<200xi32, #tpu.memory_space<hbm>>) target(%arg5 : memref<200xi32, #tpu.memory_space<vmem>>) target_semaphore(%run_scoped3A : memref<!tpu.dma_semaphore, #tpu.memory_space<semaphore_mem>>)
        %dma_wait3A = tpu.memref_slice %arg3[%add3A_53] : memref<160000xi32, #tpu.memory_space<hbm>> -> memref<200xi32, #tpu.memory_space<hbm>>
        %dma_wait3A_55 = tpu.memref_slice %arg3[%add3A_53] : memref<160000xi32, #tpu.memory_space<hbm>> -> memref<200xi32, #tpu.memory_space<hbm>>
        tpu.wait_dma2 semaphore(%run_scoped3A : memref<!tpu.dma_semaphore, #tpu.memory_space<semaphore_mem>>) src(%dma_wait3A_55 : memref<200xi32, #tpu.memory_space<hbm>>) dst(%arg5 : memref<200xi32, #tpu.memory_space<vmem>>)
        tpu.yield
      }) : () -> ()
      "tpu.region"() ({
        %run_scoped3A = tpu.sem_alloc : memref<!tpu.dma_semaphore, #tpu.memory_space<semaphore_mem>>
        %dma_start3A = arith.constant 0 : i32
        %dma_start3A_54 = tpu.memref_slice %arg2[%add3A_6, %add3A_53, %dma_start3A] : memref<4x160000x128xf32, #tpu.memory_space<hbm>> -> memref<1x200x128xf32, #tpu.memory_space<hbm>>
        %dma_start3A_55 = tpu.memref_squeeze %dma_start3A_54 : memref<1x200x128xf32, #tpu.memory_space<hbm>> -> memref<200x128xf32, #tpu.memory_space<hbm>>
        %dma_start3A_56 = arith.constant 0 : i32
        %dma_start3A_57 = tpu.memref_slice %arg2[%add3A_6, %add3A_53, %dma_start3A_56] : memref<4x160000x128xf32, #tpu.memory_space<hbm>> -> memref<1x200x128xf32, #tpu.memory_space<hbm>>
        %dma_start3A_58 = tpu.memref_squeeze %dma_start3A_57 : memref<1x200x128xf32, #tpu.memory_space<hbm>> -> memref<200x128xf32, #tpu.memory_space<hbm>>
        tpu.enqueue_dma source(%dma_start3A_58 : memref<200x128xf32, #tpu.memory_space<hbm>>) target(%arg6 : memref<200x128xf32, #tpu.memory_space<vmem>>) target_semaphore(%run_scoped3A : memref<!tpu.dma_semaphore, #tpu.memory_space<semaphore_mem>>)
        %dma_wait3A = arith.constant 0 : i32
        %dma_wait3A_59 = tpu.memref_slice %arg2[%add3A_6, %add3A_53, %dma_wait3A] : memref<4x160000x128xf32, #tpu.memory_space<hbm>> -> memref<1x200x128xf32, #tpu.memory_space<hbm>>
        %dma_wait3A_60 = tpu.memref_squeeze %dma_wait3A_59 : memref<1x200x128xf32, #tpu.memory_space<hbm>> -> memref<200x128xf32, #tpu.memory_space<hbm>>
        %dma_wait3A_61 = arith.constant 0 : i32
        %dma_wait3A_62 = tpu.memref_slice %arg2[%add3A_6, %add3A_53, %dma_wait3A_61] : memref<4x160000x128xf32, #tpu.memory_space<hbm>> -> memref<1x200x128xf32, #tpu.memory_space<hbm>>
        %dma_wait3A_63 = tpu.memref_squeeze %dma_wait3A_62 : memref<1x200x128xf32, #tpu.memory_space<hbm>> -> memref<200x128xf32, #tpu.memory_space<hbm>>
        tpu.wait_dma2 semaphore(%run_scoped3A : memref<!tpu.dma_semaphore, #tpu.memory_space<semaphore_mem>>) src(%dma_wait3A_63 : memref<200x128xf32, #tpu.memory_space<hbm>>) dst(%arg6 : memref<200x128xf32, #tpu.memory_space<vmem>>)
        tpu.yield
      }) : () -> ()
      "tpu.region"() ({
        %run_scoped3A = tpu.sem_alloc : memref<!tpu.dma_semaphore, #tpu.memory_space<semaphore_mem>>
        %dma_start3A = arith.constant 0 : i32
        %dma_start3A_54 = arith.constant 0 : i32
        %dma_start3A_55 = tpu.memref_slice %arg8[%dma_start3A, %dma_start3A_54] : memref<10240x128xf32, #tpu.memory_space<vmem_shared>> -> memref<10240x128xf32, #tpu.memory_space<vmem_shared>>
        tpu.enqueue_indirect_dma source(%arg6 : memref<200x128xf32, #tpu.memory_space<vmem>>) target(%dma_start3A_55 : memref<10240x128xf32, #tpu.memory_space<vmem_shared>>) offsets(%arg5 : memref<200xi32, #tpu.memory_space<vmem>>) semaphore(%run_scoped3A : memref<!tpu.dma_semaphore, #tpu.memory_space<semaphore_mem>>) {add = true}
        %dma_wait3A = arith.constant 0 : i32
        %dma_wait3A_56 = arith.constant 0 : i32
        %dma_wait3A_57 = tpu.memref_slice %arg8[%dma_wait3A, %dma_wait3A_56] : memref<10240x128xf32, #tpu.memory_space<vmem_shared>> -> memref<10240x128xf32, #tpu.memory_space<vmem_shared>>
        tpu.wait_indirect_dma semaphore(%run_scoped3A : memref<!tpu.dma_semaphore, #tpu.memory_space<semaphore_mem>>) src(%arg6 : memref<200x128xf32, #tpu.memory_space<vmem>>) dst(%dma_wait3A_57 : memref<10240x128xf32, #tpu.memory_space<vmem_shared>>)
        tpu.yield
      }) : () -> ()
    }
    %scan3A_18 = arith.constant 50 : i32
    %barrier3A_19 = arith.constant 0 : index
    tpu.barrier barrier_id(%barrier3A_19)
    %mul3A_20 = arith.constant 640 : i32
    %mul3A_21 = arith.muli %arg1, %mul3A_20 : i32
    %mul3A_22 = arith.constant 640 : i32
    %mul3A_23 = arith.muli %arg1, %mul3A_22 : i32
    "tpu.region"() ({
      %run_scoped3A = tpu.sem_alloc : memref<!tpu.dma_semaphore, #tpu.memory_space<semaphore_mem>>
      %dma_start3A = arith.constant 0 : i32
      %dma_start3A_48 = tpu.memref_slice %arg4[%add3A_6, %mul3A_23, %dma_start3A] : memref<4x10240x128xf32, #tpu.memory_space<hbm>> -> memref<1x640x128xf32, #tpu.memory_space<hbm>>
      %dma_start3A_49 = tpu.memref_squeeze %dma_start3A_48 : memref<1x640x128xf32, #tpu.memory_space<hbm>> -> memref<640x128xf32, #tpu.memory_space<hbm>>
      %dma_start3A_50 = arith.constant 0 : i32
      %dma_start3A_51 = tpu.memref_slice %arg8[%mul3A_21, %dma_start3A_50] : memref<10240x128xf32, #tpu.memory_space<vmem_shared>> -> memref<640x128xf32, #tpu.memory_space<vmem_shared>>
      tpu.enqueue_dma source(%dma_start3A_51 : memref<640x128xf32, #tpu.memory_space<vmem_shared>>) target(%dma_start3A_49 : memref<640x128xf32, #tpu.memory_space<hbm>>) target_semaphore(%run_scoped3A : memref<!tpu.dma_semaphore, #tpu.memory_space<semaphore_mem>>)
      %dma_wait3A = arith.constant 0 : i32
      %dma_wait3A_52 = tpu.memref_slice %arg4[%add3A_6, %mul3A_23, %dma_wait3A] : memref<4x10240x128xf32, #tpu.memory_space<hbm>> -> memref<1x640x128xf32, #tpu.memory_space<hbm>>
      %dma_wait3A_53 = tpu.memref_squeeze %dma_wait3A_52 : memref<1x640x128xf32, #tpu.memory_space<hbm>> -> memref<640x128xf32, #tpu.memory_space<hbm>>
      %dma_wait3A_54 = arith.constant 0 : i32
      %dma_wait3A_55 = tpu.memref_slice %arg8[%mul3A_21, %dma_wait3A_54] : memref<10240x128xf32, #tpu.memory_space<vmem_shared>> -> memref<640x128xf32, #tpu.memory_space<vmem_shared>>
      tpu.wait_dma2 semaphore(%run_scoped3A : memref<!tpu.dma_semaphore, #tpu.memory_space<semaphore_mem>>) src(%dma_wait3A_55 : memref<640x128xf32, #tpu.memory_space<vmem_shared>>) dst(%dma_wait3A_53 : memref<640x128xf32, #tpu.memory_space<hbm>>)
      tpu.yield
    }) : () -> ()
    %barrier3A_24 = arith.constant 0 : index
    tpu.barrier barrier_id(%barrier3A_24)
    %mul3A_25 = arith.constant 2 : i32
    %mul3A_26 = arith.muli %arg0, %mul3A_25 : i32
    %add3A_27 = arith.constant 1 : i32
    %add3A_28 = arith.addi %mul3A_26, %add3A_27 : i32
    %scan3A_29 = arith.constant 0 : i32
    %scan3A_30 = arith.constant 0 : i32
    %scan3A_31 = arith.constant 16 : i32
    %scan3A_32 = arith.addi %scan3A_30, %scan3A_31 : i32
    %scan3A_33 = arith.constant 1 : i32
    scf.for %scan3A_48 = %scan3A_30 to %scan3A_32 step %scan3A_33  : i32 {
      %mul3A_49 = arith.constant 640 : i32
      %mul3A_50 = arith.muli %arg1, %mul3A_49 : i32
      %mul3A_51 = arith.constant 40 : i32
      %mul3A_52 = arith.muli %scan3A_48, %mul3A_51 : i32
      %add3A_53 = arith.addi %mul3A_50, %mul3A_52 : i32
      "tpu.region"() ({
        %run_scoped3A = tpu.sem_alloc : memref<!tpu.dma_semaphore, #tpu.memory_space<semaphore_mem>>
        %dma_start3A = arith.constant 0 : i32
        %dma_start3A_54 = tpu.memref_slice %arg8[%add3A_53, %dma_start3A] : memref<10240x128xf32, #tpu.memory_space<vmem_shared>> -> memref<40x128xf32, #tpu.memory_space<vmem_shared>>
        %dma_start3A_55 = arith.constant 0 : i32
        %dma_start3A_56 = tpu.memref_slice %arg8[%add3A_53, %dma_start3A_55] : memref<10240x128xf32, #tpu.memory_space<vmem_shared>> -> memref<40x128xf32, #tpu.memory_space<vmem_shared>>
        tpu.enqueue_dma source(%arg7 : memref<40x128xf32, #tpu.memory_space<vmem>>) target(%dma_start3A_56 : memref<40x128xf32, #tpu.memory_space<vmem_shared>>) target_semaphore(%run_scoped3A : memref<!tpu.dma_semaphore, #tpu.memory_space<semaphore_mem>>)
        %dma_wait3A = arith.constant 0 : i32
        %dma_wait3A_57 = tpu.memref_slice %arg8[%add3A_53, %dma_wait3A] : memref<10240x128xf32, #tpu.memory_space<vmem_shared>> -> memref<40x128xf32, #tpu.memory_space<vmem_shared>>
        %dma_wait3A_58 = arith.constant 0 : i32
        %dma_wait3A_59 = tpu.memref_slice %arg8[%add3A_53, %dma_wait3A_58] : memref<10240x128xf32, #tpu.memory_space<vmem_shared>> -> memref<40x128xf32, #tpu.memory_space<vmem_shared>>
        tpu.wait_dma2 semaphore(%run_scoped3A : memref<!tpu.dma_semaphore, #tpu.memory_space<semaphore_mem>>) src(%arg7 : memref<40x128xf32, #tpu.memory_space<vmem>>) dst(%dma_wait3A_59 : memref<40x128xf32, #tpu.memory_space<vmem_shared>>)
        tpu.yield
      }) : () -> ()
    }
    %scan3A_34 = arith.constant 16 : i32
    %barrier3A_35 = arith.constant 0 : index
    tpu.barrier barrier_id(%barrier3A_35)
    %scan3A_36 = arith.constant 0 : i32
    %scan3A_37 = arith.constant 0 : i32
    %scan3A_38 = arith.constant 50 : i32
    %scan3A_39 = arith.addi %scan3A_37, %scan3A_38 : i32
    %scan3A_40 = arith.constant 1 : i32
    scf.for %scan3A_48 = %scan3A_37 to %scan3A_39 step %scan3A_40  : i32 {
      %mul3A_49 = arith.constant 10000 : i32
      %mul3A_50 = arith.muli %arg1, %mul3A_49 : i32
      %mul3A_51 = arith.constant 200 : i32
      %mul3A_52 = arith.muli %scan3A_48, %mul3A_51 : i32
      %add3A_53 = arith.addi %mul3A_50, %mul3A_52 : i32
      "tpu.region"() ({
        %run_scoped3A = tpu.sem_alloc : memref<!tpu.dma_semaphore, #tpu.memory_space<semaphore_mem>>
        %dma_start3A = tpu.memref_slice %arg3[%add3A_53] : memref<160000xi32, #tpu.memory_space<hbm>> -> memref<200xi32, #tpu.memory_space<hbm>>
        %dma_start3A_54 = tpu.memref_slice %arg3[%add3A_53] : memref<160000xi32, #tpu.memory_space<hbm>> -> memref<200xi32, #tpu.memory_space<hbm>>
        tpu.enqueue_dma source(%dma_start3A_54 : memref<200xi32, #tpu.memory_space<hbm>>) target(%arg5 : memref<200xi32, #tpu.memory_space<vmem>>) target_semaphore(%run_scoped3A : memref<!tpu.dma_semaphore, #tpu.memory_space<semaphore_mem>>)
        %dma_wait3A = tpu.memref_slice %arg3[%add3A_53] : memref<160000xi32, #tpu.memory_space<hbm>> -> memref<200xi32, #tpu.memory_space<hbm>>
        %dma_wait3A_55 = tpu.memref_slice %arg3[%add3A_53] : memref<160000xi32, #tpu.memory_space<hbm>> -> memref<200xi32, #tpu.memory_space<hbm>>
        tpu.wait_dma2 semaphore(%run_scoped3A : memref<!tpu.dma_semaphore, #tpu.memory_space<semaphore_mem>>) src(%dma_wait3A_55 : memref<200xi32, #tpu.memory_space<hbm>>) dst(%arg5 : memref<200xi32, #tpu.memory_space<vmem>>)
        tpu.yield
      }) : () -> ()
      "tpu.region"() ({
        %run_scoped3A = tpu.sem_alloc : memref<!tpu.dma_semaphore, #tpu.memory_space<semaphore_mem>>
        %dma_start3A = arith.constant 0 : i32
        %dma_start3A_54 = tpu.memref_slice %arg2[%add3A_28, %add3A_53, %dma_start3A] : memref<4x160000x128xf32, #tpu.memory_space<hbm>> -> memref<1x200x128xf32, #tpu.memory_space<hbm>>
        %dma_start3A_55 = tpu.memref_squeeze %dma_start3A_54 : memref<1x200x128xf32, #tpu.memory_space<hbm>> -> memref<200x128xf32, #tpu.memory_space<hbm>>
        %dma_start3A_56 = arith.constant 0 : i32
        %dma_start3A_57 = tpu.memref_slice %arg2[%add3A_28, %add3A_53, %dma_start3A_56] : memref<4x160000x128xf32, #tpu.memory_space<hbm>> -> memref<1x200x128xf32, #tpu.memory_space<hbm>>
        %dma_start3A_58 = tpu.memref_squeeze %dma_start3A_57 : memref<1x200x128xf32, #tpu.memory_space<hbm>> -> memref<200x128xf32, #tpu.memory_space<hbm>>
        tpu.enqueue_dma source(%dma_start3A_58 : memref<200x128xf32, #tpu.memory_space<hbm>>) target(%arg6 : memref<200x128xf32, #tpu.memory_space<vmem>>) target_semaphore(%run_scoped3A : memref<!tpu.dma_semaphore, #tpu.memory_space<semaphore_mem>>)
        %dma_wait3A = arith.constant 0 : i32
        %dma_wait3A_59 = tpu.memref_slice %arg2[%add3A_28, %add3A_53, %dma_wait3A] : memref<4x160000x128xf32, #tpu.memory_space<hbm>> -> memref<1x200x128xf32, #tpu.memory_space<hbm>>
        %dma_wait3A_60 = tpu.memref_squeeze %dma_wait3A_59 : memref<1x200x128xf32, #tpu.memory_space<hbm>> -> memref<200x128xf32, #tpu.memory_space<hbm>>
        %dma_wait3A_61 = arith.constant 0 : i32
        %dma_wait3A_62 = tpu.memref_slice %arg2[%add3A_28, %add3A_53, %dma_wait3A_61] : memref<4x160000x128xf32, #tpu.memory_space<hbm>> -> memref<1x200x128xf32, #tpu.memory_space<hbm>>
        %dma_wait3A_63 = tpu.memref_squeeze %dma_wait3A_62 : memref<1x200x128xf32, #tpu.memory_space<hbm>> -> memref<200x128xf32, #tpu.memory_space<hbm>>
        tpu.wait_dma2 semaphore(%run_scoped3A : memref<!tpu.dma_semaphore, #tpu.memory_space<semaphore_mem>>) src(%dma_wait3A_63 : memref<200x128xf32, #tpu.memory_space<hbm>>) dst(%arg6 : memref<200x128xf32, #tpu.memory_space<vmem>>)
        tpu.yield
      }) : () -> ()
      "tpu.region"() ({
        %run_scoped3A = tpu.sem_alloc : memref<!tpu.dma_semaphore, #tpu.memory_space<semaphore_mem>>
        %dma_start3A = arith.constant 0 : i32
        %dma_start3A_54 = arith.constant 0 : i32
        %dma_start3A_55 = tpu.memref_slice %arg8[%dma_start3A, %dma_start3A_54] : memref<10240x128xf32, #tpu.memory_space<vmem_shared>> -> memref<10240x128xf32, #tpu.memory_space<vmem_shared>>
        tpu.enqueue_indirect_dma source(%arg6 : memref<200x128xf32, #tpu.memory_space<vmem>>) target(%dma_start3A_55 : memref<10240x128xf32, #tpu.memory_space<vmem_shared>>) offsets(%arg5 : memref<200xi32, #tpu.memory_space<vmem>>) semaphore(%run_scoped3A : memref<!tpu.dma_semaphore, #tpu.memory_space<semaphore_mem>>) {add = true}
        %dma_wait3A = arith.constant 0 : i32
        %dma_wait3A_56 = arith.constant 0 : i32
        %dma_wait3A_57 = tpu.memref_slice %arg8[%dma_wait3A, %dma_wait3A_56] : memref<10240x128xf32, #tpu.memory_space<vmem_shared>> -> memref<10240x128xf32, #tpu.memory_space<vmem_shared>>
        tpu.wait_indirect_dma semaphore(%run_scoped3A : memref<!tpu.dma_semaphore, #tpu.memory_space<semaphore_mem>>) src(%arg6 : memref<200x128xf32, #tpu.memory_space<vmem>>) dst(%dma_wait3A_57 : memref<10240x128xf32, #tpu.memory_space<vmem_shared>>)
        tpu.yield
      }) : () -> ()
    }
    %scan3A_41 = arith.constant 50 : i32
    %barrier3A_42 = arith.constant 0 : index
    tpu.barrier barrier_id(%barrier3A_42)
    %mul3A_43 = arith.constant 640 : i32
    %mul3A_44 = arith.muli %arg1, %mul3A_43 : i32
    %mul3A_45 = arith.constant 640 : i32
    %mul3A_46 = arith.muli %arg1, %mul3A_45 : i32
    "tpu.region"() ({
      %run_scoped3A = tpu.sem_alloc : memref<!tpu.dma_semaphore, #tpu.memory_space<semaphore_mem>>
      %dma_start3A = arith.constant 0 : i32
      %dma_start3A_48 = tpu.memref_slice %arg4[%add3A_28, %mul3A_46, %dma_start3A] : memref<4x10240x128xf32, #tpu.memory_space<hbm>> -> memref<1x640x128xf32, #tpu.memory_space<hbm>>
      %dma_start3A_49 = tpu.memref_squeeze %dma_start3A_48 : memref<1x640x128xf32, #tpu.memory_space<hbm>> -> memref<640x128xf32, #tpu.memory_space<hbm>>
      %dma_start3A_50 = arith.constant 0 : i32
      %dma_start3A_51 = tpu.memref_slice %arg8[%mul3A_44, %dma_start3A_50] : memref<10240x128xf32, #tpu.memory_space<vmem_shared>> -> memref<640x128xf32, #tpu.memory_space<vmem_shared>>
      tpu.enqueue_dma source(%dma_start3A_51 : memref<640x128xf32, #tpu.memory_space<vmem_shared>>) target(%dma_start3A_49 : memref<640x128xf32, #tpu.memory_space<hbm>>) target_semaphore(%run_scoped3A : memref<!tpu.dma_semaphore, #tpu.memory_space<semaphore_mem>>)
      %dma_wait3A = arith.constant 0 : i32
      %dma_wait3A_52 = tpu.memref_slice %arg4[%add3A_28, %mul3A_46, %dma_wait3A] : memref<4x10240x128xf32, #tpu.memory_space<hbm>> -> memref<1x640x128xf32, #tpu.memory_space<hbm>>
      %dma_wait3A_53 = tpu.memref_squeeze %dma_wait3A_52 : memref<1x640x128xf32, #tpu.memory_space<hbm>> -> memref<640x128xf32, #tpu.memory_space<hbm>>
      %dma_wait3A_54 = arith.constant 0 : i32
      %dma_wait3A_55 = tpu.memref_slice %arg8[%mul3A_44, %dma_wait3A_54] : memref<10240x128xf32, #tpu.memory_space<vmem_shared>> -> memref<640x128xf32, #tpu.memory_space<vmem_shared>>
      tpu.wait_dma2 semaphore(%run_scoped3A : memref<!tpu.dma_semaphore, #tpu.memory_space<semaphore_mem>>) src(%dma_wait3A_55 : memref<640x128xf32, #tpu.memory_space<vmem_shared>>) dst(%dma_wait3A_53 : memref<640x128xf32, #tpu.memory_space<hbm>>)
      tpu.yield
    }) : () -> ()
    %barrier3A_47 = arith.constant 0 : index
    tpu.barrier barrier_id(%barrier3A_47)
    return
  }
}

module attributes {stable_mosaic.version = 14 : i64} {
  func.func @_edge_body(%arg0: i32, %arg1: memref<640x256xf32, #tpu.memory_space<vmem>>, %arg2: memref<640x16xbf16, #tpu.memory_space<vmem>>, %arg3: memref<640x1xi32, #tpu.memory_space<vmem>>, %arg4: memref<640x1xi32, #tpu.memory_space<vmem>>, %arg5: memref<256x256xbf16, #tpu.memory_space<vmem>>, %arg6: memref<16x256xbf16, #tpu.memory_space<vmem>>, %arg7: memref<1x256xf32, #tpu.memory_space<vmem>>, %arg8: memref<256x256xbf16, #tpu.memory_space<vmem>>, %arg9: memref<1x256xf32, #tpu.memory_space<vmem>>, %arg10: memref<256x256xbf16, #tpu.memory_space<vmem>>, %arg11: memref<16x256xbf16, #tpu.memory_space<vmem>>, %arg12: memref<1x256xf32, #tpu.memory_space<vmem>>, %arg13: memref<256x256xbf16, #tpu.memory_space<vmem>>, %arg14: memref<1x256xf32, #tpu.memory_space<vmem>>, %arg15: memref<4x640x128xf32, #tpu.memory_space<vmem>>) attributes {dimension_semantics = [#tpu.dimension_semantics<arbitrary>], iteration_bounds = array<i64: 250>, scalar_prefetch = 0 : i64, scratch_operands = 0 : i64, tpu.core_type = #tpu.core_type<tc>, window_params = [{transform_indices = @transform_0, window_bounds = array<i64: 640, 256>}, {transform_indices = @transform_1, window_bounds = array<i64: 640, 16>}, {transform_indices = @transform_2, window_bounds = array<i64: 640, 1>}, {transform_indices = @transform_3, window_bounds = array<i64: 640, 1>}, {pipeline_mode = #tpu.pipeline_mode<synchronous>, transform_indices = @transform_4, window_bounds = array<i64: 256, 256>}, {pipeline_mode = #tpu.pipeline_mode<synchronous>, transform_indices = @transform_5, window_bounds = array<i64: 16, 256>}, {pipeline_mode = #tpu.pipeline_mode<synchronous>, transform_indices = @transform_6, window_bounds = array<i64: 1, 256>}, {pipeline_mode = #tpu.pipeline_mode<synchronous>, transform_indices = @transform_7, window_bounds = array<i64: 256, 256>}, {pipeline_mode = #tpu.pipeline_mode<synchronous>, transform_indices = @transform_8, window_bounds = array<i64: 1, 256>}, {pipeline_mode = #tpu.pipeline_mode<synchronous>, transform_indices = @transform_9, window_bounds = array<i64: 256, 256>}, {pipeline_mode = #tpu.pipeline_mode<synchronous>, transform_indices = @transform_10, window_bounds = array<i64: 16, 256>}, {pipeline_mode = #tpu.pipeline_mode<synchronous>, transform_indices = @transform_11, window_bounds = array<i64: 1, 256>}, {pipeline_mode = #tpu.pipeline_mode<synchronous>, transform_indices = @transform_12, window_bounds = array<i64: 256, 256>}, {pipeline_mode = #tpu.pipeline_mode<synchronous>, transform_indices = @transform_13, window_bounds = array<i64: 1, 256>}, {transform_indices = @transform_14, window_bounds = array<i64: 4, 640, 128>}]} {
    %get3A = arith.constant 0 : index
    %get3A_0 = arith.constant 0 : index
    %get3A_1 = vector.load %arg1[%get3A, %get3A_0] : memref<640x256xf32, #tpu.memory_space<vmem>>, vector<640x256xf32>
    %convert_element_type3A = arith.truncf %get3A_1 : vector<640x256xf32> to vector<640x256xbf16>
    %get3A_2 = arith.constant 0 : index
    %get3A_3 = arith.constant 0 : index
    %get3A_4 = vector.load %arg2[%get3A_2, %get3A_3] : memref<640x16xbf16, #tpu.memory_space<vmem>>, vector<640x16xbf16>
    %get3A_5 = arith.constant 0 : index
    %get3A_6 = arith.constant 0 : index
    %get3A_7 = vector.load %arg3[%get3A_5, %get3A_6] : memref<640x1xi32, #tpu.memory_space<vmem>>, vector<640x1xi32>
    %get3A_8 = arith.constant 0 : index
    %get3A_9 = arith.constant 0 : index
    %get3A_10 = vector.load %arg4[%get3A_8, %get3A_9] : memref<640x1xi32, #tpu.memory_space<vmem>>, vector<640x1xi32>
    %lt3A = arith.cmpi slt, %get3A_7, %get3A_10 : vector<640x1xi32>
    %convert_element_type3A_11 = arith.extui %lt3A : vector<640x1xi1> to vector<640x1xi32>
    %convert_element_type3A_12 = arith.sitofp %convert_element_type3A_11 : vector<640x1xi32> to vector<640x1xf32>
    %gt3A = arith.cmpi sgt, %get3A_7, %get3A_10 : vector<640x1xi32>
    %convert_element_type3A_13 = arith.extui %gt3A : vector<640x1xi1> to vector<640x1xi32>
    %convert_element_type3A_14 = arith.sitofp %convert_element_type3A_13 : vector<640x1xi32> to vector<640x1xf32>
    %get3A_15 = arith.constant 0 : index
    %get3A_16 = arith.constant 0 : index
    %get3A_17 = vector.load %arg5[%get3A_15, %get3A_16] : memref<256x256xbf16, #tpu.memory_space<vmem>>, vector<256x256xbf16>
    %dot_general3A = arith.constant dense<0.000000e+00> : vector<640x256xf32>
    %dot_general3A_18 = tpu.matmul %convert_element_type3A, %get3A_17, %dot_general3A {dimension_numbers = #tpu.dot_dimension_numbers<[1], [0], [0], [1], [0, 0, 1, 1], [], []>, transpose_lhs_hint = false} : vector<640x256xbf16>, vector<256x256xbf16>, vector<640x256xf32> -> vector<640x256xf32>
    %get3A_19 = arith.constant 0 : index
    %get3A_20 = arith.constant 0 : index
    %get3A_21 = vector.load %arg6[%get3A_19, %get3A_20] : memref<16x256xbf16, #tpu.memory_space<vmem>>, vector<16x256xbf16>
    %dot_general3A_22 = arith.constant dense<0.000000e+00> : vector<640x256xf32>
    %dot_general3A_23 = tpu.matmul %get3A_4, %get3A_21, %dot_general3A_22 {dimension_numbers = #tpu.dot_dimension_numbers<[1], [0], [0], [1], [0, 0, 1, 1], [], []>, transpose_lhs_hint = false} : vector<640x16xbf16>, vector<16x256xbf16>, vector<640x256xf32> -> vector<640x256xf32>
    %add3A = arith.addf %dot_general3A_18, %dot_general3A_23 : vector<640x256xf32>
    %get3A_24 = arith.constant 0 : index
    %get3A_25 = arith.constant 0 : index
    %get3A_26 = vector.load %arg7[%get3A_24, %get3A_25] : memref<1x256xf32, #tpu.memory_space<vmem>>, vector<1x256xf32>
    %add3A_27 = vector.broadcast %get3A_26 : vector<1x256xf32> to vector<640x256xf32>
    %add3A_28 = arith.addf %add3A, %add3A_27 : vector<640x256xf32>
    %max3A = arith.constant 0.000000e+00 : f32
    %max3A_29 = vector.broadcast %max3A : f32 to vector<640x256xf32>
    %max3A_30 = arith.maximumf %add3A_28, %max3A_29 : vector<640x256xf32>
    %convert_element_type3A_31 = arith.truncf %max3A_30 : vector<640x256xf32> to vector<640x256xbf16>
    %get3A_32 = arith.constant 0 : index
    %get3A_33 = arith.constant 0 : index
    %get3A_34 = vector.load %arg8[%get3A_32, %get3A_33] : memref<256x256xbf16, #tpu.memory_space<vmem>>, vector<256x256xbf16>
    %dot_general3A_35 = arith.constant dense<0.000000e+00> : vector<640x256xf32>
    %dot_general3A_36 = tpu.matmul %convert_element_type3A_31, %get3A_34, %dot_general3A_35 {dimension_numbers = #tpu.dot_dimension_numbers<[1], [0], [0], [1], [0, 0, 1, 1], [], []>, transpose_lhs_hint = false} : vector<640x256xbf16>, vector<256x256xbf16>, vector<640x256xf32> -> vector<640x256xf32>
    %get3A_37 = arith.constant 0 : index
    %get3A_38 = arith.constant 0 : index
    %get3A_39 = vector.load %arg9[%get3A_37, %get3A_38] : memref<1x256xf32, #tpu.memory_space<vmem>>, vector<1x256xf32>
    %add3A_40 = vector.broadcast %get3A_39 : vector<1x256xf32> to vector<640x256xf32>
    %add3A_41 = arith.addf %dot_general3A_36, %add3A_40 : vector<640x256xf32>
    %mul3A = vector.broadcast %convert_element_type3A_12 : vector<640x1xf32> to vector<640x256xf32>
    %mul3A_42 = arith.mulf %add3A_41, %mul3A : vector<640x256xf32>
    %get3A_43 = arith.constant 0 : index
    %get3A_44 = arith.constant 0 : index
    %get3A_45 = vector.load %arg10[%get3A_43, %get3A_44] : memref<256x256xbf16, #tpu.memory_space<vmem>>, vector<256x256xbf16>
    %dot_general3A_46 = arith.constant dense<0.000000e+00> : vector<640x256xf32>
    %dot_general3A_47 = tpu.matmul %convert_element_type3A, %get3A_45, %dot_general3A_46 {dimension_numbers = #tpu.dot_dimension_numbers<[1], [0], [0], [1], [0, 0, 1, 1], [], []>, transpose_lhs_hint = false} : vector<640x256xbf16>, vector<256x256xbf16>, vector<640x256xf32> -> vector<640x256xf32>
    %get3A_48 = arith.constant 0 : index
    %get3A_49 = arith.constant 0 : index
    %get3A_50 = vector.load %arg11[%get3A_48, %get3A_49] : memref<16x256xbf16, #tpu.memory_space<vmem>>, vector<16x256xbf16>
    %dot_general3A_51 = arith.constant dense<0.000000e+00> : vector<640x256xf32>
    %dot_general3A_52 = tpu.matmul %get3A_4, %get3A_50, %dot_general3A_51 {dimension_numbers = #tpu.dot_dimension_numbers<[1], [0], [0], [1], [0, 0, 1, 1], [], []>, transpose_lhs_hint = false} : vector<640x16xbf16>, vector<16x256xbf16>, vector<640x256xf32> -> vector<640x256xf32>
    %add3A_53 = arith.addf %dot_general3A_47, %dot_general3A_52 : vector<640x256xf32>
    %get3A_54 = arith.constant 0 : index
    %get3A_55 = arith.constant 0 : index
    %get3A_56 = vector.load %arg12[%get3A_54, %get3A_55] : memref<1x256xf32, #tpu.memory_space<vmem>>, vector<1x256xf32>
    %add3A_57 = vector.broadcast %get3A_56 : vector<1x256xf32> to vector<640x256xf32>
    %add3A_58 = arith.addf %add3A_53, %add3A_57 : vector<640x256xf32>
    %max3A_59 = arith.constant 0.000000e+00 : f32
    %max3A_60 = vector.broadcast %max3A_59 : f32 to vector<640x256xf32>
    %max3A_61 = arith.maximumf %add3A_58, %max3A_60 : vector<640x256xf32>
    %convert_element_type3A_62 = arith.truncf %max3A_61 : vector<640x256xf32> to vector<640x256xbf16>
    %get3A_63 = arith.constant 0 : index
    %get3A_64 = arith.constant 0 : index
    %get3A_65 = vector.load %arg13[%get3A_63, %get3A_64] : memref<256x256xbf16, #tpu.memory_space<vmem>>, vector<256x256xbf16>
    %dot_general3A_66 = arith.constant dense<0.000000e+00> : vector<640x256xf32>
    %dot_general3A_67 = tpu.matmul %convert_element_type3A_62, %get3A_65, %dot_general3A_66 {dimension_numbers = #tpu.dot_dimension_numbers<[1], [0], [0], [1], [0, 0, 1, 1], [], []>, transpose_lhs_hint = false} : vector<640x256xbf16>, vector<256x256xbf16>, vector<640x256xf32> -> vector<640x256xf32>
    %get3A_68 = arith.constant 0 : index
    %get3A_69 = arith.constant 0 : index
    %get3A_70 = vector.load %arg14[%get3A_68, %get3A_69] : memref<1x256xf32, #tpu.memory_space<vmem>>, vector<1x256xf32>
    %add3A_71 = vector.broadcast %get3A_70 : vector<1x256xf32> to vector<640x256xf32>
    %add3A_72 = arith.addf %dot_general3A_67, %add3A_71 : vector<640x256xf32>
    %mul3A_73 = vector.broadcast %convert_element_type3A_14 : vector<640x1xf32> to vector<640x256xf32>
    %mul3A_74 = arith.mulf %add3A_72, %mul3A_73 : vector<640x256xf32>
    %slice3A = vector.extract_strided_slice %mul3A_74 {offsets = [0, 0], sizes = [640, 128], strides = [1, 1]} : vector<640x256xf32> to vector<640x128xf32>
    %swap3A = arith.constant 0 : index
    %swap3A_75 = arith.constant 0 : index
    %swap3A_76 = arith.constant 0 : index
    %swap3A_77 = vector.load %arg15[%swap3A, %swap3A_75, %swap3A_76] : memref<4x640x128xf32, #tpu.memory_space<vmem>>, vector<1x640x128xf32>
    %swap3A_78 = vector.shape_cast %swap3A_77 : vector<1x640x128xf32> to vector<640x128xf32>
    %swap3A_79 = vector.shape_cast %slice3A : vector<640x128xf32> to vector<1x640x128xf32>
    tpu.vector_store %arg15[%swap3A, %swap3A_75, %swap3A_76], %swap3A_79 {strides = array<i32>} : memref<4x640x128xf32, #tpu.memory_space<vmem>>, vector<1x640x128xf32>,
    %slice3A_80 = vector.extract_strided_slice %mul3A_74 {offsets = [0, 128], sizes = [640, 128], strides = [1, 1]} : vector<640x256xf32> to vector<640x128xf32>
    %swap3A_81 = arith.constant 1 : index
    %swap3A_82 = arith.constant 0 : index
    %swap3A_83 = arith.constant 0 : index
    %swap3A_84 = vector.load %arg15[%swap3A_81, %swap3A_82, %swap3A_83] : memref<4x640x128xf32, #tpu.memory_space<vmem>>, vector<1x640x128xf32>
    %swap3A_85 = vector.shape_cast %swap3A_84 : vector<1x640x128xf32> to vector<640x128xf32>
    %swap3A_86 = vector.shape_cast %slice3A_80 : vector<640x128xf32> to vector<1x640x128xf32>
    tpu.vector_store %arg15[%swap3A_81, %swap3A_82, %swap3A_83], %swap3A_86 {strides = array<i32>} : memref<4x640x128xf32, #tpu.memory_space<vmem>>, vector<1x640x128xf32>,
    %slice3A_87 = vector.extract_strided_slice %mul3A_42 {offsets = [0, 0], sizes = [640, 128], strides = [1, 1]} : vector<640x256xf32> to vector<640x128xf32>
    %swap3A_88 = arith.constant 2 : index
    %swap3A_89 = arith.constant 0 : index
    %swap3A_90 = arith.constant 0 : index
    %swap3A_91 = vector.load %arg15[%swap3A_88, %swap3A_89, %swap3A_90] : memref<4x640x128xf32, #tpu.memory_space<vmem>>, vector<1x640x128xf32>
    %swap3A_92 = vector.shape_cast %swap3A_91 : vector<1x640x128xf32> to vector<640x128xf32>
    %swap3A_93 = vector.shape_cast %slice3A_87 : vector<640x128xf32> to vector<1x640x128xf32>
    tpu.vector_store %arg15[%swap3A_88, %swap3A_89, %swap3A_90], %swap3A_93 {strides = array<i32>} : memref<4x640x128xf32, #tpu.memory_space<vmem>>, vector<1x640x128xf32>,
    %slice3A_94 = vector.extract_strided_slice %mul3A_42 {offsets = [0, 128], sizes = [640, 128], strides = [1, 1]} : vector<640x256xf32> to vector<640x128xf32>
    %swap3A_95 = arith.constant 3 : index
    %swap3A_96 = arith.constant 0 : index
    %swap3A_97 = arith.constant 0 : index
    %swap3A_98 = vector.load %arg15[%swap3A_95, %swap3A_96, %swap3A_97] : memref<4x640x128xf32, #tpu.memory_space<vmem>>, vector<1x640x128xf32>
    %swap3A_99 = vector.shape_cast %swap3A_98 : vector<1x640x128xf32> to vector<640x128xf32>
    %swap3A_100 = vector.shape_cast %slice3A_94 : vector<640x128xf32> to vector<1x640x128xf32>
    tpu.vector_store %arg15[%swap3A_95, %swap3A_96, %swap3A_97], %swap3A_100 {strides = array<i32>} : memref<4x640x128xf32, #tpu.memory_space<vmem>>, vector<1x640x128xf32>,
    return
  }
  func.func @transform_0(%arg0: i32) -> (i32, i32) {
    %c0_i32 = arith.constant 0 : i32
    %c0_i32_0 = arith.constant 0 : i32
    return %arg0, %c0_i32 : i32, i32
  }
  func.func @transform_1(%arg0: i32) -> (i32, i32) {
    %c0_i32 = arith.constant 0 : i32
    %c0_i32_0 = arith.constant 0 : i32
    return %arg0, %c0_i32 : i32, i32
  }
  func.func @transform_2(%arg0: i32) -> (i32, i32) {
    %c0_i32 = arith.constant 0 : i32
    %c0_i32_0 = arith.constant 0 : i32
    return %arg0, %c0_i32 : i32, i32
  }
  func.func @transform_3(%arg0: i32) -> (i32, i32) {
    %c0_i32 = arith.constant 0 : i32
    %c0_i32_0 = arith.constant 0 : i32
    return %arg0, %c0_i32 : i32, i32
  }
  func.func @transform_4(%arg0: i32) -> (i32, i32) {
    %c0_i32 = arith.constant 0 : i32
    %c0_i32_0 = arith.constant 0 : i32
    %c0_i32_1 = arith.constant 0 : i32
    return %c0_i32, %c0_i32_0 : i32, i32
  }
  func.func @transform_5(%arg0: i32) -> (i32, i32) {
    %c0_i32 = arith.constant 0 : i32
    %c0_i32_0 = arith.constant 0 : i32
    %c0_i32_1 = arith.constant 0 : i32
    return %c0_i32, %c0_i32_0 : i32, i32
  }
  func.func @transform_6(%arg0: i32) -> (i32, i32) {
    %c0_i32 = arith.constant 0 : i32
    %c0_i32_0 = arith.constant 0 : i32
    %c0_i32_1 = arith.constant 0 : i32
    return %c0_i32, %c0_i32_0 : i32, i32
  }
  func.func @transform_7(%arg0: i32) -> (i32, i32) {
    %c0_i32 = arith.constant 0 : i32
    %c0_i32_0 = arith.constant 0 : i32
    %c0_i32_1 = arith.constant 0 : i32
    return %c0_i32, %c0_i32_0 : i32, i32
  }
  func.func @transform_8(%arg0: i32) -> (i32, i32) {
    %c0_i32 = arith.constant 0 : i32
    %c0_i32_0 = arith.constant 0 : i32
    %c0_i32_1 = arith.constant 0 : i32
    return %c0_i32, %c0_i32_0 : i32, i32
  }
  func.func @transform_9(%arg0: i32) -> (i32, i32) {
    %c0_i32 = arith.constant 0 : i32
    %c0_i32_0 = arith.constant 0 : i32
    %c0_i32_1 = arith.constant 0 : i32
    return %c0_i32, %c0_i32_0 : i32, i32
  }
  func.func @transform_10(%arg0: i32) -> (i32, i32) {
    %c0_i32 = arith.constant 0 : i32
    %c0_i32_0 = arith.constant 0 : i32
    %c0_i32_1 = arith.constant 0 : i32
    return %c0_i32, %c0_i32_0 : i32, i32
  }
  func.func @transform_11(%arg0: i32) -> (i32, i32) {
    %c0_i32 = arith.constant 0 : i32
    %c0_i32_0 = arith.constant 0 : i32
    %c0_i32_1 = arith.constant 0 : i32
    return %c0_i32, %c0_i32_0 : i32, i32
  }
  func.func @transform_12(%arg0: i32) -> (i32, i32) {
    %c0_i32 = arith.constant 0 : i32
    %c0_i32_0 = arith.constant 0 : i32
    %c0_i32_1 = arith.constant 0 : i32
    return %c0_i32, %c0_i32_0 : i32, i32
  }
  func.func @transform_13(%arg0: i32) -> (i32, i32) {
    %c0_i32 = arith.constant 0 : i32
    %c0_i32_0 = arith.constant 0 : i32
    %c0_i32_1 = arith.constant 0 : i32
    return %c0_i32, %c0_i32_0 : i32, i32
  }
  func.func @transform_14(%arg0: i32) -> (i32, i32, i32) {
    %c0_i32 = arith.constant 0 : i32
    %c0_i32_0 = arith.constant 0 : i32
    %c0_i32_1 = arith.constant 0 : i32
    return %c0_i32, %arg0, %c0_i32_0 : i32, i32, i32
  }
}

module attributes {stable_mosaic.version = 14 : i64} {
  func.func @_node_body(%arg0: i32, %arg1: memref<4x1024x128xf32, #tpu.memory_space<vmem>>, %arg2: memref<4x128x256xf32, #tpu.memory_space<vmem>>, %arg3: memref<1x256xf32, #tpu.memory_space<vmem>>, %arg4: memref<256x256xf32, #tpu.memory_space<vmem>>, %arg5: memref<1x256xf32, #tpu.memory_space<vmem>>, %arg6: memref<1024x256xf32, #tpu.memory_space<vmem>>) attributes {dimension_semantics = [#tpu.dimension_semantics<arbitrary>], iteration_bounds = array<i64: 10>, scalar_prefetch = 0 : i64, scratch_operands = 0 : i64, tpu.core_type = #tpu.core_type<tc>, window_params = [{transform_indices = @transform_0, window_bounds = array<i64: 4, 1024, 128>}, {pipeline_mode = #tpu.pipeline_mode<synchronous>, transform_indices = @transform_1, window_bounds = array<i64: 4, 128, 256>}, {pipeline_mode = #tpu.pipeline_mode<synchronous>, transform_indices = @transform_2, window_bounds = array<i64: 1, 256>}, {pipeline_mode = #tpu.pipeline_mode<synchronous>, transform_indices = @transform_3, window_bounds = array<i64: 256, 256>}, {pipeline_mode = #tpu.pipeline_mode<synchronous>, transform_indices = @transform_4, window_bounds = array<i64: 1, 256>}, {transform_indices = @transform_5, window_bounds = array<i64: 1024, 256>}]} {
    %get3A = arith.constant 0 : index
    %get3A_0 = arith.constant 0 : index
    %get3A_1 = arith.constant 0 : index
    %get3A_2 = vector.load %arg1[%get3A, %get3A_0, %get3A_1] : memref<4x1024x128xf32, #tpu.memory_space<vmem>>, vector<1x1024x128xf32>
    %get3A_3 = vector.shape_cast %get3A_2 : vector<1x1024x128xf32> to vector<1024x128xf32>
    %get3A_4 = arith.constant 0 : index
    %get3A_5 = arith.constant 0 : index
    %get3A_6 = arith.constant 0 : index
    %get3A_7 = vector.load %arg2[%get3A_4, %get3A_5, %get3A_6] : memref<4x128x256xf32, #tpu.memory_space<vmem>>, vector<1x128x256xf32>
    %get3A_8 = vector.shape_cast %get3A_7 : vector<1x128x256xf32> to vector<128x256xf32>
    %dot_general3A = arith.constant dense<0.000000e+00> : vector<1024x256xf32>
    %dot_general3A_9 = tpu.matmul %get3A_3, %get3A_8, %dot_general3A {dimension_numbers = #tpu.dot_dimension_numbers<[1], [0], [0], [1], [0, 0, 1, 1], [], []>, transpose_lhs_hint = false} : vector<1024x128xf32>, vector<128x256xf32>, vector<1024x256xf32> -> vector<1024x256xf32>
    %get3A_10 = arith.constant 1 : index
    %get3A_11 = arith.constant 0 : index
    %get3A_12 = arith.constant 0 : index
    %get3A_13 = vector.load %arg1[%get3A_10, %get3A_11, %get3A_12] : memref<4x1024x128xf32, #tpu.memory_space<vmem>>, vector<1x1024x128xf32>
    %get3A_14 = vector.shape_cast %get3A_13 : vector<1x1024x128xf32> to vector<1024x128xf32>
    %get3A_15 = arith.constant 1 : index
    %get3A_16 = arith.constant 0 : index
    %get3A_17 = arith.constant 0 : index
    %get3A_18 = vector.load %arg2[%get3A_15, %get3A_16, %get3A_17] : memref<4x128x256xf32, #tpu.memory_space<vmem>>, vector<1x128x256xf32>
    %get3A_19 = vector.shape_cast %get3A_18 : vector<1x128x256xf32> to vector<128x256xf32>
    %dot_general3A_20 = arith.constant dense<0.000000e+00> : vector<1024x256xf32>
    %dot_general3A_21 = tpu.matmul %get3A_14, %get3A_19, %dot_general3A_20 {dimension_numbers = #tpu.dot_dimension_numbers<[1], [0], [0], [1], [0, 0, 1, 1], [], []>, transpose_lhs_hint = false} : vector<1024x128xf32>, vector<128x256xf32>, vector<1024x256xf32> -> vector<1024x256xf32>
    %add3A = arith.addf %dot_general3A_9, %dot_general3A_21 : vector<1024x256xf32>
    %get3A_22 = arith.constant 2 : index
    %get3A_23 = arith.constant 0 : index
    %get3A_24 = arith.constant 0 : index
    %get3A_25 = vector.load %arg1[%get3A_22, %get3A_23, %get3A_24] : memref<4x1024x128xf32, #tpu.memory_space<vmem>>, vector<1x1024x128xf32>
    %get3A_26 = vector.shape_cast %get3A_25 : vector<1x1024x128xf32> to vector<1024x128xf32>
    %get3A_27 = arith.constant 2 : index
    %get3A_28 = arith.constant 0 : index
    %get3A_29 = arith.constant 0 : index
    %get3A_30 = vector.load %arg2[%get3A_27, %get3A_28, %get3A_29] : memref<4x128x256xf32, #tpu.memory_space<vmem>>, vector<1x128x256xf32>
    %get3A_31 = vector.shape_cast %get3A_30 : vector<1x128x256xf32> to vector<128x256xf32>
    %dot_general3A_32 = arith.constant dense<0.000000e+00> : vector<1024x256xf32>
    %dot_general3A_33 = tpu.matmul %get3A_26, %get3A_31, %dot_general3A_32 {dimension_numbers = #tpu.dot_dimension_numbers<[1], [0], [0], [1], [0, 0, 1, 1], [], []>, transpose_lhs_hint = false} : vector<1024x128xf32>, vector<128x256xf32>, vector<1024x256xf32> -> vector<1024x256xf32>
    %add3A_34 = arith.addf %add3A, %dot_general3A_33 : vector<1024x256xf32>
    %get3A_35 = arith.constant 3 : index
    %get3A_36 = arith.constant 0 : index
    %get3A_37 = arith.constant 0 : index
    %get3A_38 = vector.load %arg1[%get3A_35, %get3A_36, %get3A_37] : memref<4x1024x128xf32, #tpu.memory_space<vmem>>, vector<1x1024x128xf32>
    %get3A_39 = vector.shape_cast %get3A_38 : vector<1x1024x128xf32> to vector<1024x128xf32>
    %get3A_40 = arith.constant 3 : index
    %get3A_41 = arith.constant 0 : index
    %get3A_42 = arith.constant 0 : index
    %get3A_43 = vector.load %arg2[%get3A_40, %get3A_41, %get3A_42] : memref<4x128x256xf32, #tpu.memory_space<vmem>>, vector<1x128x256xf32>
    %get3A_44 = vector.shape_cast %get3A_43 : vector<1x128x256xf32> to vector<128x256xf32>
    %dot_general3A_45 = arith.constant dense<0.000000e+00> : vector<1024x256xf32>
    %dot_general3A_46 = tpu.matmul %get3A_39, %get3A_44, %dot_general3A_45 {dimension_numbers = #tpu.dot_dimension_numbers<[1], [0], [0], [1], [0, 0, 1, 1], [], []>, transpose_lhs_hint = false} : vector<1024x128xf32>, vector<128x256xf32>, vector<1024x256xf32> -> vector<1024x256xf32>
    %add3A_47 = arith.addf %add3A_34, %dot_general3A_46 : vector<1024x256xf32>
    %get3A_48 = arith.constant 0 : index
    %get3A_49 = arith.constant 0 : index
    %get3A_50 = vector.load %arg3[%get3A_48, %get3A_49] : memref<1x256xf32, #tpu.memory_space<vmem>>, vector<1x256xf32>
    %add3A_51 = vector.broadcast %get3A_50 : vector<1x256xf32> to vector<1024x256xf32>
    %add3A_52 = arith.addf %add3A_47, %add3A_51 : vector<1024x256xf32>
    %max3A = arith.constant 0.000000e+00 : f32
    %max3A_53 = vector.broadcast %max3A : f32 to vector<1024x256xf32>
    %max3A_54 = arith.maximumf %add3A_52, %max3A_53 : vector<1024x256xf32>
    %get3A_55 = arith.constant 0 : index
    %get3A_56 = arith.constant 0 : index
    %get3A_57 = vector.load %arg4[%get3A_55, %get3A_56] : memref<256x256xf32, #tpu.memory_space<vmem>>, vector<256x256xf32>
    %dot_general3A_58 = arith.constant dense<0.000000e+00> : vector<1024x256xf32>
    %dot_general3A_59 = tpu.matmul %max3A_54, %get3A_57, %dot_general3A_58 {dimension_numbers = #tpu.dot_dimension_numbers<[1], [0], [0], [1], [0, 0, 1, 1], [], []>, transpose_lhs_hint = false} : vector<1024x256xf32>, vector<256x256xf32>, vector<1024x256xf32> -> vector<1024x256xf32>
    %get3A_60 = arith.constant 0 : index
    %get3A_61 = arith.constant 0 : index
    %get3A_62 = vector.load %arg5[%get3A_60, %get3A_61] : memref<1x256xf32, #tpu.memory_space<vmem>>, vector<1x256xf32>
    %add3A_63 = vector.broadcast %get3A_62 : vector<1x256xf32> to vector<1024x256xf32>
    %add3A_64 = arith.addf %dot_general3A_59, %add3A_63 : vector<1024x256xf32>
    %swap3A = arith.constant 0 : index
    %swap3A_65 = arith.constant 0 : index
    %swap3A_66 = vector.load %arg6[%swap3A, %swap3A_65] : memref<1024x256xf32, #tpu.memory_space<vmem>>, vector<1024x256xf32>
    tpu.vector_store %arg6[%swap3A, %swap3A_65], %add3A_64 {strides = array<i32>} : memref<1024x256xf32, #tpu.memory_space<vmem>>, vector<1024x256xf32>,
    return
  }
  func.func @transform_0(%arg0: i32) -> (i32, i32, i32) {
    %c0_i32 = arith.constant 0 : i32
    %c0_i32_0 = arith.constant 0 : i32
    %c0_i32_1 = arith.constant 0 : i32
    return %c0_i32, %arg0, %c0_i32_0 : i32, i32, i32
  }
  func.func @transform_1(%arg0: i32) -> (i32, i32, i32) {
    %c0_i32 = arith.constant 0 : i32
    %c0_i32_0 = arith.constant 0 : i32
    %c0_i32_1 = arith.constant 0 : i32
    %c0_i32_2 = arith.constant 0 : i32
    return %c0_i32, %c0_i32_0, %c0_i32_1 : i32, i32, i32
  }
  func.func @transform_2(%arg0: i32) -> (i32, i32) {
    %c0_i32 = arith.constant 0 : i32
    %c0_i32_0 = arith.constant 0 : i32
    %c0_i32_1 = arith.constant 0 : i32
    return %c0_i32, %c0_i32_0 : i32, i32
  }
  func.func @transform_3(%arg0: i32) -> (i32, i32) {
    %c0_i32 = arith.constant 0 : i32
    %c0_i32_0 = arith.constant 0 : i32
    %c0_i32_1 = arith.constant 0 : i32
    return %c0_i32, %c0_i32_0 : i32, i32
  }
  func.func @transform_4(%arg0: i32) -> (i32, i32) {
    %c0_i32 = arith.constant 0 : i32
    %c0_i32_0 = arith.constant 0 : i32
    %c0_i32_1 = arith.constant 0 : i32
    return %c0_i32, %c0_i32_0 : i32, i32
  }
  func.func @transform_5(%arg0: i32) -> (i32, i32) {
    %c0_i32 = arith.constant 0 : i32
    %c0_i32_0 = arith.constant 0 : i32
    return %arg0, %c0_i32 : i32, i32
  }
}

</mosaic_0001>

<sc_bundles>
// kernel: kernel.6.cloned.1.call-start
scs
__scs_entry_jumppad:
0x0: {  	(pc) =	sbr.rel $0x88, $3  }
0x1: {  	(tag) =	ssettag $0x0;
	lr =	simm.s32 $0x1  }
0x2: {  	[smem:$0x3F92] =	sst lr;
	_ =	strace $0xD0000000  }
0x3: {  	_ = 	snop  }
0x4: {  	_ = 	snop  }
0x5: {  	_ = 	snop  }
0x6: {  	_ = 	snop  }
0x7: {  	_ = 	snop  }
__scs_overlays_trampoline_lowered:
0x8: {  	[smem:$0x3FA1] =	sst s0  }
0x9: {  	[smem:$0x3FA2] =	sst s1  }
0xa: {  	[smem:$0x3FA3] =	sst s2  }
0xb: {  	[smem:$0x3FA4] =	sst s3  }
0xc: {  	[smem:$0x3FA5] =	sst s4  }
0xd: {  	[smem:$0x3FA6] =	sst s5  }
0xe: {  	[smem:$0x3FA7] =	sst s6  }
0xf: {  	[smem:$0x3FA8] =	sst s7  }
0x10: {  	[smem:$0x3FA9] =	sst s8  }
0x11: {  	[smem:$0x3FAA] =	sst s9;
	s0 =	simm.s32 @!p0 $0x0  }
0x12: {  	s1 =	sld [smem:$0x3F90];
	s0 =	simm.s32 @p0 $0x1  }
0x13: {  	[smem:$0x3FAB] =	sst s0;
	s0 =	simm.s32 @!p1 $0x0  }
0x14: {  	s2 =	sld [smem:$0x3F8F];
	s0 =	simm.s32 @p1 $0x1  }
0x15: {  	[smem:$0x3FAC] =	sst s0;
	s0 =	simm.s32 @!p2 $0x0  }
0x16: {  	s3 =	sld [smem:$0x3FDB];
	s0 =	simm.s32 @p2 $0x1  }
0x17: {  	s4 =	simm.s32 $0x1BF5;
	[smem:$0x3FAE] =	sst s0  }
0x18: {  	s0 =	sld [smem:$0x3F91];
	_ =	swait.ge [sflag:s4], $0x0  }
0x19: {  	s7 =	sld [smem:$0x3F92]  }
0x1a: {  	s8 =	sadd.s32 $0xFFFFE003, lr  }
0x1b: {  	s9 =	sadd.s32 $0xFFFFFEF7, lr;
	s5 =	simm.s32 $0xFFFFFFFF;
	p2 =	slt.u32 s8, $0xFFFFF086  }
0x1c: {  	p1 =	slt.u32 s9, $0xF7A;
	s5 =	simm.s32 @!p2 $0x0  }
0x1d: {  	s5 =	simm.s32 @p1 $0x1;
	p0 =	seq.s32 s7, s2  }
0x1e: {  	s7 =	smul.u32 @!p0 $0xF7A, s2;
	p2 =	seq.s32 @!p0 s5, $0x0  }
0x1f: {  	s9 =	smul.u32 $0xF7A, s1;
	s8 =	simm.s32 @!p0 $0x1BF5;
	p2 =	por !p2, p0  }
0x20: {  	[sflag:s8] =	ssyncset.s32 @!p0 $0xFFFFF086;
	s6 =	sadd.s32 @!p0 s3, s7;
	s7 =	simm.s32 @!p0 $0x108  }
0x21: {  	s3 =	sadd.s32 s3, s9;
	s6 =	sadd.s32 @!p0 $0x88, s6;
	s7 =	simm.s32 @p2 $0x1082  }
0x22: {  	[simem:s7], [sflag:s8] =	dma.local @!p0 [hbm:s6], $0xF7A  }
0x23: {  	s9 =	sor.u32 $0xD0000000, s2;
	s6 =	simm.s32 $0x108;
	_ =	swait.ge @!p0 [sflag:s8], $0x0  }
0x24: {  	s3 =	sadd.s32 $0x88, s3;
	s6 =	simm.s32 @!p1 $0x1082;
	[sflag:s4] =	ssyncset.s32 $0xFFFFF086  }
0x25: {  	[simem:s6], [sflag:s4] =	dma.local [hbm:s3], $0xF7A  }
0x26: {  	[smem:$0x3F92] =	sst s1;
	(tag) =	ssettag s2;
	_ =	strace s9  }
0x27: {  	s1 =	sld [smem:$0x3FA2]  }
0x28: {  	s2 =	sld [smem:$0x3FA3]  }
0x29: {  	s4 =	sld [smem:$0x3FA5]  }
0x2a: {  	p0 =	seq.s32 s5, $0x0;
	s5 =	sld [smem:$0x3FA6]  }
0x2b: {  	s6 =	sld [smem:$0x3FA7]  }
0x2c: {  	s7 =	sld [smem:$0x3FA8]  }
0x2d: {  	s3 =	simm.s32 $0x108;
	s8 =	sld [smem:$0x3FA9]  }
0x2e: {  	s3 =	simm.s32 @!p0 $0x1082;
	s9 =	sld [smem:$0x3FAA]  }
0x2f: {  	lr =	sadd.s32 s0, s3;
	s0 =	sld [smem:$0x3FA1]  }
0x30: {  	s3 =	sld [smem:$0x3FA4]  }
0x31: {  	[smem:$0x3FAD] =	sst s10  }
0x32: {  	s10 =	sld [smem:$0x3FAB];
	_ =	sdelay $0x3  }
0x33: {  	p0 =	seq.s32 s10, $0x1;
	s10 =	sld [smem:$0x3FAD];
	_ =	sdelay $0x3  }
0x34: {  	[smem:$0x3FAD] =	sst s10  }
0x35: {  	s10 =	sld [smem:$0x3FAC];
	_ =	sdelay $0x3  }
0x36: {  	p1 =	seq.s32 s10, $0x1;
	s10 =	sld [smem:$0x3FAD];
	_ =	sdelay $0x3  }
0x37: {  	[smem:$0x3FAD] =	sst s10  }
0x38: {  	s10 =	sld [smem:$0x3FAE]  }
0x39: {  	_ = 	snop;
	(pc) =	sbr.ind lr, $3  }
0x3a: {  	_ = 	snop  }
0x3b: {  	_ = 	snop  }
0x3c: {  	p2 =	seq.s32 s10, $0x1;
	s10 =	sld [smem:$0x3FAD]  }
0x3d: {  	_ =	shalt  }
0x3e: {  	_ =	shalt  }
0x3f: {  	_ =	shalt  }
0x40: {  	_ =	shalt  }
0x41: {  	_ =	shalt  }
0x42: {  	_ =	shalt  }
0x43: {  	_ =	shalt  }
0x44: {  	_ =	shalt  }
0x45: {  	_ =	shalt  }
0x46: {  	_ =	shalt  }
0x47: {  	_ =	shalt  }
0x48: {  	_ =	shalt  }
0x49: {  	_ =	shalt  }
0x4a: {  	_ =	shalt  }
0x4b: {  	_ =	shalt  }
0x4c: {  	_ =	shalt  }
0x4d: {  	_ =	shalt  }
0x4e: {  	_ =	shalt  }
0x4f: {  	_ =	shalt  }
0x50: {  	_ =	shalt  }
0x51: {  	_ =	shalt  }
0x52: {  	_ =	shalt  }
0x53: {  	_ =	shalt  }
0x54: {  	_ =	shalt  }
0x55: {  	_ =	shalt  }
0x56: {  	_ =	shalt  }
0x57: {  	_ =	shalt  }
0x58: {  	_ =	shalt  }
0x59: {  	_ =	shalt  }
0x5a: {  	_ =	shalt  }
0x5b: {  	_ =	shalt  }
0x5c: {  	_ =	shalt  }
0x5d: {  	_ =	shalt  }
0x5e: {  	_ =	shalt  }
0x5f: {  	_ =	shalt  }
0x60: {  	_ =	shalt  }
0x61: {  	_ =	shalt  }
0x62: {  	_ =	shalt  }
0x63: {  	_ =	shalt  }
0x64: {  	_ =	shalt  }
0x65: {  	_ =	shalt  }
0x66: {  	_ =	shalt  }
0x67: {  	_ =	shalt  }
0x68: {  	_ =	shalt  }
0x69: {  	_ =	shalt  }
0x6a: {  	_ =	shalt  }
0x6b: {  	_ =	shalt  }
0x6c: {  	_ =	shalt  }
0x6d: {  	_ =	shalt  }
0x6e: {  	_ =	shalt  }
0x6f: {  	_ =	shalt  }
0x70: {  	_ =	shalt  }
0x71: {  	_ =	shalt  }
0x72: {  	_ =	shalt  }
0x73: {  	_ =	shalt  }
0x74: {  	_ =	shalt  }
0x75: {  	_ =	shalt  }
0x76: {  	_ =	shalt  }
0x77: {  	_ =	shalt  }
0x78: {  	_ =	shalt  }
0x79: {  	_ =	shalt  }
0x7a: {  	_ =	shalt  }
0x7b: {  	_ =	shalt  }
0x7c: {  	_ =	shalt  }
0x7d: {  	_ =	shalt  }
0x7e: {  	_ =	shalt  }
0x7f: {  	_ =	shalt  }
0x80: {  	_ =	shalt  }
0x81: {  	_ =	shalt  }
0x82: {  	_ =	shalt  }
0x83: {  	_ =	shalt  }
0x84: {  	_ =	shalt  }
0x85: {  	_ =	shalt  }
0x86: {  	_ =	shalt  }
0x87: {  	_ =	shalt  }
.Lfunc_end0:
.L_simem_size_0:
called_computation_lowered:
.L_overlay_start_0:
0x88: {  	s2 =	sld [smem:$0x3FD9]  }
0x89: {  	s3 =	sld [smem:$0x3FFE];
	_ =	sdelay $0x1  }
0x8a: {  	s1 =	srdreg.scid  }
0x8b: {  	s0 =	sand.u32 $0x1, s1  }
0x8c: {  	s17 =	sshll.u32 s0, $0xA;
	s2 =	sadd.s32 s3, s2  }
0x8d: {  	s2 =	sadd.s32 s2, s17  }
0x8e: {  	[smem:$0x3FB9] =	sst s2  }
0x8f: {  	_ = 	snop  }
0x90: {  	s2 =	sld [smem:$0x3FC9]  }
0x91: {  	s18 =	sld [smem:$0x3FD0];
	(tm) =	ssettm $0x1  }
0x92: {  	s4 =	sld [smem:$0x3FFB];
	_ =	sdelay $0x3  }
0x93: {  	_ =	strace s4  }
0x94: {  	s4 =	sld [smem:$0x3FFC];
	_ =	sdelay $0x3  }
0x95: {  	_ =	strace s4  }
0x96: {  	s4 =	sld [smem:$0x3FFD];
	_ =	sdelay $0x3  }
0x97: {  	_ =	strace s4  }
0x98: {  	_ =	strace $0x8FFFFFFF  }
0x99: {  	s19 =	sld [smem:$0x3FDB];
	_ =	sdelay $0x1  }
0x9a: {  	s5 =	simm.s32 $_scs_section_size  }
0x9b: {  	s6 =	simm.s32 $_size__tile_overlayer_lowered;
	s7 =	simm.s32 $_tile_overlayer_lowered  }
0x9c: {  	s22 =	simm.s32 $0x1BFF;
	s21 =	sshll.u32 s7, $0x1;
	s4 =	sadd.s32 s5, s19  }
0x9d: {  	s8 =	simm.s32 $0x0;
	s20 =	sshll.u32 s6, $0x1;
	s6 =	sadd.s32 s21, s4  }
0x9e: {  	[timem:s8], [sflag:s22] =	dma.local [hbm:s6], s20  }
0x9f: {  	_ =	swait.ge [sflag:s22], s20  }
0xa0: {  	s5 =	ssub.s32 $0x0, s20;
	[sflag:s22] =	ssyncset.done $0x0  }
0xa1: {  	[sflag:s22] =	ssyncadd.s32 s5;
	_ =	sdelay $0x1  }
0xa2: {  	s23 =	simm.s32 $0x1B8B  }
0xa3: {  	_ =	swait.ge [sflag:s23], $0x1  }
0xa4: {  	[sflag:s23] =	ssyncset.done $0x0  }
0xa5: {  	s25 =	simm.s32 $0x1B8E;
	s24 =	sld [smem:$0x3FFE];
	[sflag:s23] =	ssyncadd.s32 $0xFFFFFFFF  }
0xa6: {  	s26 =	simm.s32 $execute0_lowered;
	[smem:$0x3FD2] =	sst s25  }
0xa7: {  	s6 =	sshll.u32 s26, $0x1;
	_ =	strace $0x80000046;
	[dreg:$0x1] =	wrdreg $0xFFFFFFFF  }
0xa8: {  	s28 =	simm.s32 $_size_execute0_lowered;
	s4 =	sadd.s32 s4, s6;
	[dreg:$0x0] =	wrdreg $0x0  }
0xa9: {  	s6 =	sshll.u32 s28, $0x1;
	[dreg:$0x2] =	wrdreg s4  }
0xaa: {  	[dreg:$0x3] =	wrdreg s6  }
0xab: {  	[dreg:$0x4] =	wrdreg $0xC0  }
0xac: {  	_ =	task [dreg:s8], $0x5FFFF  }
0xad: {  	[dreg:$0x1] =	wrdreg $0xFFFFFFFF  }
0xae: {  	[dreg:$0x0] =	wrdreg $0x60  }
0xaf: {  	[dreg:$0x2] =	wrdreg s2  }
0xb0: {  	[dreg:$0x3] =	wrdreg s18  }
0xb1: {  	[dreg:$0x4] =	wrdreg s24  }
0xb2: {  	[dreg:$0x5] =	wrdreg $0x9  }
0xb3: {  	_ =	task.clear_ibuf [dreg:s8], $0x6FFFF;
	_ =	strace $0x90000046  }
0xb4: {  	s29 =	simm.s32 $0x9;
	_ =	strace $0x80000048  }
0xb5: {  	_ =	swait.ge [sflag:s29], $0x1  }
0xb6: {  	[sflag:s29] =	ssyncadd.s32 $0xFFFFFFFF  }
0xb7: {  	_ =	strace $0x90000048  }
0xb8: {  	_ =	sfence  }
0xb9: {  	s30 =	sld [smem:$0x0];
	_ =	sdelay $0x2  }
0xba: {  	s31 =	sshll.u32 s1, $0xD;
	s1 =	sshrl.u32 s1, $0x2  }
0xbb: {  	s3 =	sand.u32 $0x4000, s31;
	s1 =	sadd.s32 s1, s30  }
0xbc: {  	s0 =	sor.u32 s3, s0;
	s1 =	sshll.u32 s1, $0x11  }
0xbd: {  	s0 =	sor.u32 s1, s0  }
0xbe: {  	s0 =	sadd.s32 $0x8F2B, s0  }
0xbf: {  	[sflag:s0] =	ssyncadd.remote.s32 $0x1  }
0xc0: {  	_ =	sfence.sel $0xFFFF  }
0xc1: {  	[dreg:$0x0] =	wrdreg $0xFFFFFFFF;
	(pc) =	sbr.abs _section_cstart, $3  }
0xc2: {  	[dreg:$0x1] =	wrdreg $0xFFFFFFFF  }
0xc3: {  	_ =	task.clear_ibuf [dreg:s8], $0x2FFFF;
	_ =	strace $0x9FFFFFFF  }
0xc4: {  	(tm) =	ssettm $0x7FFFFFFF  }
0xc5: {  	_ =	shalt  }
tec
execute0_lowered:
.L_overlay_start_1:
0x0: {  	(tag) =	ssettag $0x1  }
0x1: {  	s2 =	rddreg [dreg:$0x0]  }
0x2: {  	s0 =	rddreg [dreg:$0x1]  }
0x3: {  	s1 =	rddreg [dreg:$0x2]  }
0x4: {  	s7 =	stileid.u32;
	s4 =	srdreg.scid;
	s3 =	simm.s32 $0x0  }
0x5: {  	s24 =	simm.s32 $0x900;
	s25 =	simm.s32 $0x1100;
	s26 =	simm.s32 $0x1900  }
0x6: {  	s11 =	simm.s32 $0x3900;
	s12 =	simm.s32 $0x4100;
	s13 =	simm.s32 $0x4900  }
0x7: {  	s14 =	simm.s32 $0x5100;
	s15 =	simm.s32 $0x5900;
	s16 =	simm.s32 $0x6100  }
0x8: {  	s17 =	simm.s32 $0x6900;
	s18 =	simm.s32 $0x7100;
	s28 =	simm.s32 $0xB900  }
0x9: {  	s29 =	simm.s32 $0xC100;
	s30 =	simm.s32 $0x1;
	s31 =	simm.s32 $0x0  }
0xa: {  	s4 =	sand.u32 $0x1, s4;
	s5 =	smul.u32 $0x2710, s7;
	[smem:$0x7FF] =	sst s3  }
0xb: {  	s7 =	smul.u32 $0x4E200, s7;
	_ =	strace $0x80000047;
	[dreg:$0x5] =	wrdreg s24  }
0xc: {  	s6 =	smul.u32 $0x1388, s4;
	s8 =	ssub.s32 $0x2, s4;
	[dreg:$0x6] =	wrdreg s25  }
0xd: {  	s10 =	smul.u32 $0x27100, s4;
	[dreg:$0x7] =	wrdreg s26;
	s24 =	simm.s32 $0xA100  }
0xe: {  	s25 =	simm.s32 $0xA900;
	s26 =	simm.s32 $0xB100;
	s9 =	sshrl.u32 s8, $0x1  }
0xf: {  	s1 =	sadd.s32 s7, s1;
	s7 =	simm.s32 $0x100;
	s19 =	sadd.s32 s6, s5  }
0x10: {  	s20 =	ssub.s32 s8, s9;
	s1 =	sadd.s32 s10, s1;
	s8 =	simm.s32 $0x2100  }
0x11: {  	s9 =	simm.s32 $0x2900;
	s10 =	simm.s32 $0x3100;
	s6 =	sshrl.u32 s19, $0x3  }
0x12: {  	s21 =	smax.u32 s20, $0x1;
	s23 =	sadd.s32 $0xC400, s1;
	s19 =	simm.s32 $0x7900  }
0x13: {  	v2 =	vlaneseq.u32;
	s20 =	simm.s32 $0x8100;
	[dreg:$0x8] =	wrdreg s21;
	s22 =	sadd.s32 s6, s0  }
0x14: {  	vm0 =	vmmov $0xffff;
	v1 =	vshrl.u32 v2, $0x3;
	[dreg:$0x9] =	wrdreg s23;
	s6 =	simm.s32 $0x2;
	s21 =	simm.s32 $0x8900  }
0x15: {  	v0 =	vand.u32 $0x7, v2;
	v2 =	vor.u32 $0x8, v2;
	v1 =	vmul.u32 $0x8, v1;
	s23 =	simm.s32 $0x9900;
	[dreg:$0x4] =	wrdreg s22;
	s22 =	simm.s32 $0x9100  }
.LBB2_1:
0x16: {  	s5 =	rddreg [dreg:$0x9];
	s1 =	simm.s32 $0x0  }
.LBB2_2:
0x17: {  	s4 =	rddreg [dreg:$0x4]  }
0x18: {  	s4 =	sadd.s32 s1, s4  }
0x19: {  	[tilespmem:s3], [sflag:$0x2] =	stream.linear.gather [hbm4b:s4+s3], $0xC8, $0x38;
	[tilespmem:$0xC900] =	vst v63  }
0x1a: {  	_ =	swait.ge [sflag:s6], $0xC8  }
0x1b: {  	[sflag:s6] =	ssyncset.done $0x0  }
0x1c: {  	[sflag:s6] =	ssyncadd.s32 $0xFFFFFF38  }
0x1d: {  	v3 =	vld [tilespmem:$0x0];
	_ =	sdelay $0x4  }
0x1e: {  	v4 =	vshll.u32 v3, $0x1  }
0x1f: {  	v3 =	vand.u32 $0x7, v3;
	v4 =	vand.u32 $0xFFFFFFF0, v4  }
0x20: {  	v3 =	vor.u32 v3, v4  }
0x21: {  	v4 =	vperm.xlane v3, v0;
	_ =	sdelay $0x1  }
0x22: {  	v3 =	vperm.xlane v3, v2;
	v4 =	vadd.s32 v1, v4;
	_ =	sdelay $0x1  }
0x23: {  	v3 =	vadd.s32 v1, v3;
	_ =	sdelay $0x2  }
0x24: {  	[tilespmem:s7], [sflag:$0x1] =	stream.indirect_vreg.gather [hbm4b:s2+s3], $0x80, v4, vm0, $0xb8;
	[tilespmem:$0xC900] =	vst v63  }
0x25: {  	s0 =	rddreg [dreg:$0x5]  }
0x26: {  	[tilespmem:s0], [sflag:$0x1] =	stream.indirect_vreg.gather [hbm4b:s2+s3], $0x80, v3, vm0, $0xb8;
	[tilespmem:$0xC900] =	vst v63  }
0x27: {  	v3 =	vld [tilespmem:$0x10];
	_ =	sdelay $0x4  }
0x28: {  	v52 =	vshll.u32 v3, $0x1  }
0x29: {  	v3 =	vand.u32 $0x7, v3;
	v4 =	vand.u32 $0xFFFFFFF0, v52  }
0x2a: {  	v3 =	vor.u32 v3, v4  }
0x2b: {  	v4 =	vperm.xlane v3, v0;
	_ =	sdelay $0x1  }
0x2c: {  	v3 =	vperm.xlane v3, v2;
	v4 =	vadd.s32 v1, v4;
	_ =	sdelay $0x1  }
0x2d: {  	v3 =	vadd.s32 v1, v3;
	_ =	sdelay $0x1  }
0x2e: {  	s4 =	rddreg [dreg:$0x6]  }
0x2f: {  	[tilespmem:s4], [sflag:$0x1] =	stream.indirect_vreg.gather [hbm4b:s2+s3], $0x80, v4, vm0, $0xb8;
	[tilespmem:$0xC900] =	vst v63  }
0x30: {  	s0 =	rddreg [dreg:$0x7]  }
0x31: {  	[tilespmem:s0], [sflag:$0x1] =	stream.indirect_vreg.gather [hbm4b:s2+s3], $0x80, v3, vm0, $0xb8;
	[tilespmem:$0xC900] =	vst v63  }
0x32: {  	v3 =	vld [tilespmem:$0x20];
	_ =	sdelay $0x4  }
0x33: {  	v53 =	vshll.u32 v3, $0x1  }
0x34: {  	v3 =	vand.u32 $0x7, v3;
	v4 =	vand.u32 $0xFFFFFFF0, v53  }
0x35: {  	v3 =	vor.u32 v3, v4  }
0x36: {  	v4 =	vperm.xlane v3, v0;
	_ =	sdelay $0x1  }
0x37: {  	v3 =	vperm.xlane v3, v2;
	v4 =	vadd.s32 v1, v4;
	_ =	sdelay $0x1  }
0x38: {  	v3 =	vadd.s32 v1, v3;
	_ =	sdelay $0x2  }
0x39: {  	[tilespmem:s8], [sflag:$0x1] =	stream.indirect_vreg.gather [hbm4b:s2+s3], $0x80, v4, vm0, $0xb8;
	[tilespmem:$0xC900] =	vst v63  }
0x3a: {  	_ = 	snop  }
0x3b: {  	[tilespmem:s9], [sflag:$0x1] =	stream.indirect_vreg.gather [hbm4b:s2+s3], $0x80, v3, vm0, $0xb8;
	[tilespmem:$0xC900] =	vst v63  }
0x3c: {  	v3 =	vld [tilespmem:$0x30];
	_ =	sdelay $0x4  }
0x3d: {  	v54 =	vshll.u32 v3, $0x1  }
0x3e: {  	v3 =	vand.u32 $0x7, v3;
	v4 =	vand.u32 $0xFFFFFFF0, v54  }
0x3f: {  	v3 =	vor.u32 v3, v4  }
0x40: {  	v4 =	vperm.xlane v3, v0;
	_ =	sdelay $0x1  }
0x41: {  	v3 =	vperm.xlane v3, v2;
	v4 =	vadd.s32 v1, v4;
	_ =	sdelay $0x1  }
0x42: {  	v3 =	vadd.s32 v1, v3;
	_ =	sdelay $0x2  }
0x43: {  	[tilespmem:s10], [sflag:$0x1] =	stream.indirect_vreg.gather [hbm4b:s2+s3], $0x80, v4, vm0, $0xb8;
	[tilespmem:$0xC900] =	vst v63  }
0x44: {  	_ = 	snop  }
0x45: {  	[tilespmem:s11], [sflag:$0x1] =	stream.indirect_vreg.gather [hbm4b:s2+s3], $0x80, v3, vm0, $0xb8;
	[tilespmem:$0xC900] =	vst v63  }
0x46: {  	v3 =	vld [tilespmem:$0x40];
	_ =	sdelay $0x4  }
0x47: {  	v55 =	vshll.u32 v3, $0x1  }
0x48: {  	v3 =	vand.u32 $0x7, v3;
	v4 =	vand.u32 $0xFFFFFFF0, v55  }
0x49: {  	v3 =	vor.u32 v3, v4  }
0x4a: {  	v4 =	vperm.xlane v3, v0;
	_ =	sdelay $0x1  }
0x4b: {  	v3 =	vperm.xlane v3, v2;
	v4 =	vadd.s32 v1, v4;
	_ =	sdelay $0x1  }
0x4c: {  	v3 =	vadd.s32 v1, v3;
	_ =	sdelay $0x2  }
0x4d: {  	[tilespmem:s12], [sflag:$0x1] =	stream.indirect_vreg.gather [hbm4b:s2+s3], $0x80, v4, vm0, $0xb8;
	[tilespmem:$0xC900] =	vst v63  }
0x4e: {  	_ = 	snop  }
0x4f: {  	[tilespmem:s13], [sflag:$0x1] =	stream.indirect_vreg.gather [hbm4b:s2+s3], $0x80, v3, vm0, $0xb8;
	[tilespmem:$0xC900] =	vst v63  }
0x50: {  	v3 =	vld [tilespmem:$0x50];
	_ =	sdelay $0x4  }
0x51: {  	v56 =	vshll.u32 v3, $0x1  }
0x52: {  	v3 =	vand.u32 $0x7, v3;
	v4 =	vand.u32 $0xFFFFFFF0, v56  }
0x53: {  	v3 =	vor.u32 v3, v4  }
0x54: {  	v4 =	vperm.xlane v3, v0;
	_ =	sdelay $0x1  }
0x55: {  	v3 =	vperm.xlane v3, v2;
	v4 =	vadd.s32 v1, v4;
	_ =	sdelay $0x1  }
0x56: {  	v3 =	vadd.s32 v1, v3;
	_ =	sdelay $0x2  }
0x57: {  	[tilespmem:s14], [sflag:$0x1] =	stream.indirect_vreg.gather [hbm4b:s2+s3], $0x80, v4, vm0, $0xb8;
	[tilespmem:$0xC900] =	vst v63  }
0x58: {  	_ = 	snop  }
0x59: {  	[tilespmem:s15], [sflag:$0x1] =	stream.indirect_vreg.gather [hbm4b:s2+s3], $0x80, v3, vm0, $0xb8;
	[tilespmem:$0xC900] =	vst v63  }
0x5a: {  	v3 =	vld [tilespmem:$0x60];
	_ =	sdelay $0x4  }
0x5b: {  	v57 =	vshll.u32 v3, $0x1  }
0x5c: {  	v3 =	vand.u32 $0x7, v3;
	v4 =	vand.u32 $0xFFFFFFF0, v57  }
0x5d: {  	v3 =	vor.u32 v3, v4  }
0x5e: {  	v4 =	vperm.xlane v3, v0;
	_ =	sdelay $0x1  }
0x5f: {  	v3 =	vperm.xlane v3, v2;
	v4 =	vadd.s32 v1, v4;
	_ =	sdelay $0x1  }
0x60: {  	v3 =	vadd.s32 v1, v3;
	_ =	sdelay $0x2  }
0x61: {  	[tilespmem:s16], [sflag:$0x1] =	stream.indirect_vreg.gather [hbm4b:s2+s3], $0x80, v4, vm0, $0xb8;
	[tilespmem:$0xC900] =	vst v63  }
0x62: {  	_ = 	snop  }
0x63: {  	[tilespmem:s17], [sflag:$0x1] =	stream.indirect_vreg.gather [hbm4b:s2+s3], $0x80, v3, vm0, $0xb8;
	[tilespmem:$0xC900] =	vst v63  }
0x64: {  	v3 =	vld [tilespmem:$0x70];
	_ =	sdelay $0x4  }
0x65: {  	v58 =	vshll.u32 v3, $0x1  }
0x66: {  	v3 =	vand.u32 $0x7, v3;
	v4 =	vand.u32 $0xFFFFFFF0, v58  }
0x67: {  	v3 =	vor.u32 v3, v4  }
0x68: {  	v4 =	vperm.xlane v3, v0;
	_ =	sdelay $0x1  }
0x69: {  	v3 =	vperm.xlane v3, v2;
	v4 =	vadd.s32 v1, v4;
	_ =	sdelay $0x1  }
0x6a: {  	v3 =	vadd.s32 v1, v3;
	_ =	sdelay $0x2  }
0x6b: {  	[tilespmem:s18], [sflag:$0x1] =	stream.indirect_vreg.gather [hbm4b:s2+s3], $0x80, v4, vm0, $0xb8;
	[tilespmem:$0xC900] =	vst v63  }
0x6c: {  	_ = 	snop  }
0x6d: {  	[tilespmem:s19], [sflag:$0x1] =	stream.indirect_vreg.gather [hbm4b:s2+s3], $0x80, v3, vm0, $0xb8;
	[tilespmem:$0xC900] =	vst v63  }
0x6e: {  	v3 =	vld [tilespmem:$0x80];
	_ =	sdelay $0x4  }
0x6f: {  	v59 =	vshll.u32 v3, $0x1  }
0x70: {  	v3 =	vand.u32 $0x7, v3;
	v4 =	vand.u32 $0xFFFFFFF0, v59  }
0x71: {  	v3 =	vor.u32 v3, v4  }
0x72: {  	v4 =	vperm.xlane v3, v0;
	_ =	sdelay $0x1  }
0x73: {  	v3 =	vperm.xlane v3, v2;
	v4 =	vadd.s32 v1, v4;
	_ =	sdelay $0x1  }
0x74: {  	v3 =	vadd.s32 v1, v3;
	_ =	sdelay $0x2  }
0x75: {  	[tilespmem:s20], [sflag:$0x1] =	stream.indirect_vreg.gather [hbm4b:s2+s3], $0x80, v4, vm0, $0xb8;
	[tilespmem:$0xC900] =	vst v63  }
0x76: {  	_ = 	snop  }
0x77: {  	[tilespmem:s21], [sflag:$0x1] =	stream.indirect_vreg.gather [hbm4b:s2+s3], $0x80, v3, vm0, $0xb8;
	[tilespmem:$0xC900] =	vst v63  }
0x78: {  	v3 =	vld [tilespmem:$0x90];
	_ =	sdelay $0x4  }
0x79: {  	v60 =	vshll.u32 v3, $0x1  }
0x7a: {  	v3 =	vand.u32 $0x7, v3;
	v4 =	vand.u32 $0xFFFFFFF0, v60  }
0x7b: {  	v3 =	vor.u32 v3, v4  }
0x7c: {  	v4 =	vperm.xlane v3, v0;
	_ =	sdelay $0x1  }
0x7d: {  	v3 =	vperm.xlane v3, v2;
	v4 =	vadd.s32 v1, v4;
	_ =	sdelay $0x1  }
0x7e: {  	v3 =	vadd.s32 v1, v3;
	_ =	sdelay $0x2  }
0x7f: {  	[tilespmem:s22], [sflag:$0x1] =	stream.indirect_vreg.gather [hbm4b:s2+s3], $0x80, v4, vm0, $0xb8;
	[tilespmem:$0xC900] =	vst v63  }
0x80: {  	_ = 	snop  }
0x81: {  	[tilespmem:s23], [sflag:$0x1] =	stream.indirect_vreg.gather [hbm4b:s2+s3], $0x80, v3, vm0, $0xb8;
	[tilespmem:$0xC900] =	vst v63  }
0x82: {  	v3 =	vld [tilespmem:$0xA0];
	_ =	sdelay $0x4  }
0x83: {  	v61 =	vshll.u32 v3, $0x1  }
0x84: {  	v3 =	vand.u32 $0x7, v3;
	v4 =	vand.u32 $0xFFFFFFF0, v61  }
0x85: {  	v3 =	vor.u32 v3, v4  }
0x86: {  	v4 =	vperm.xlane v3, v0;
	_ =	sdelay $0x1  }
0x87: {  	v3 =	vperm.xlane v3, v2;
	v4 =	vadd.s32 v1, v4;
	_ =	sdelay $0x1  }
0x88: {  	v3 =	vadd.s32 v1, v3;
	_ =	sdelay $0x2  }
0x89: {  	[tilespmem:s24], [sflag:$0x1] =	stream.indirect_vreg.gather [hbm4b:s2+s3], $0x80, v4, vm0, $0xb8;
	[tilespmem:$0xC900] =	vst v63  }
0x8a: {  	_ = 	snop  }
0x8b: {  	[tilespmem:s25], [sflag:$0x1] =	stream.indirect_vreg.gather [hbm4b:s2+s3], $0x80, v3, vm0, $0xb8;
	[tilespmem:$0xC900] =	vst v63  }
0x8c: {  	v3 =	vld [tilespmem:$0xB0];
	_ =	sdelay $0x4  }
0x8d: {  	v62 =	vshll.u32 v3, $0x1  }
0x8e: {  	v3 =	vand.u32 $0x7, v3;
	v4 =	vand.u32 $0xFFFFFFF0, v62  }
0x8f: {  	v3 =	vor.u32 v3, v4  }
0x90: {  	v4 =	vperm.xlane v3, v0;
	_ =	sdelay $0x1  }
0x91: {  	v3 =	vperm.xlane v3, v2;
	v4 =	vadd.s32 v1, v4;
	_ =	sdelay $0x1  }
0x92: {  	v3 =	vadd.s32 v1, v3;
	_ =	sdelay $0x2  }
0x93: {  	[tilespmem:s26], [sflag:$0x1] =	stream.indirect_vreg.gather [hbm4b:s2+s3], $0x80, v4, vm0, $0xb8;
	[tilespmem:$0xC900] =	vst v63  }
0x94: {  	_ = 	snop  }
0x95: {  	[tilespmem:s28], [sflag:$0x1] =	stream.indirect_vreg.gather [hbm4b:s2+s3], $0x80, v3, vm0, $0xb8;
	[tilespmem:$0xC900] =	vst v63  }
0x96: {  	v3 =	vld.msk [tilespmem:$0xC0], $0xff;
	_ =	sdelay $0x4  }
0x97: {  	v63 =	vshll.u32 v3, $0x1  }
0x98: {  	v3 =	vand.u32 $0x7, v3;
	v4 =	vand.u32 $0xFFFFFFF0, v63  }
0x99: {  	v3 =	vor.u32 v3, v4  }
0x9a: {  	v3 =	vperm.xlane v3, v0;
	_ =	sdelay $0x1  }
0x9b: {  	v3 =	vadd.s32 v1, v3;
	_ =	sdelay $0x4  }
0x9c: {  	[tilespmem:s29], [sflag:$0x1] =	stream.indirect_vreg.gather [hbm4b:s2+s3], $0x80, v3, vm0, $0xb8;
	[tilespmem:$0xC900] =	vst v63  }
0x9d: {  	_ =	swait.ge [sflag:s30], $0xC800  }
0x9e: {  	p0 =	sne.s32 s1, $0x258;
	[sflag:s30] =	ssyncset.done $0x0  }
.Ltmp0:
0x9f: {  	[sflag:s30] =	ssyncadd.s32 $0xFFFF3800;
	(pc) =	sbr.rel @p0 .LBB2_2-.Ltmp0, $4  }
0xa0: {  	[hbm4b:s5+s3] =	stream.linear.scatter [tilespmem:s7], [sflag:$0x2], $0xC800, $0x38;
	[tilespmem:$0xC900] =	vst v63  }
0xa1: {  	_ =	swait.ge [sflag:s6], $0xC800  }
0xa2: {  	[sflag:s6] =	ssyncset.done $0x0  }
0xa3: {  	s1 =	sadd.s32 $0x19, s1;
	s5 =	sadd.s32 $0x1900, s5;
	[sflag:s6] =	ssyncadd.s32 $0xFFFF3800  }
0xa4: {  	s31 =	sadd.s32 $0x1, s31;
	s0 =	rddreg [dreg:$0x8]  }
0xa5: {  	p0 =	sne.s32 s31, s0  }
.Ltmp1:
0xa6: {  	_ = 	snop;
	(pc) =	sbr.rel @p0 .LBB2_1-.Ltmp1, $1  }
0xa7: {  	_ =	sdelay $0x3  }
0xa8: {  	_ =	sfence.sel $0x180000  }
0xa9: {  	[bflag:$0x0] =	sbarrier.arrive $0xFFFF  }
0xaa: {  	_ =	strace $0x90000047  }
0xab: {  	s0 =	stileid.u32;
	[bflag:$0x2] =	sbarrier.arrive $0xFFFF  }
0xac: {  	p0 =	sne.s32 s0, $0x0;
	s0 =	rddreg [dreg:$0x3]  }
0xad: {  	s0 =	sadd.s32 @!p0 $0x100000, s0  }
0xae: {  	[sflag:s0] =	ssyncadd.tile.s32 @!p0 $0x1;
	_ =	shalt  }
.Lfunc_end2:
_tile_overlayer_lowered:
.L_overlay_start_2:
0xaf: {  	(tag) =	ssettag $0x2  }
0xb0: {  	s0 =	rddreg [dreg:$0x0];
	s2 =	stileid.u32  }
0xb1: {  	s1 =	rddreg [dreg:$0x1];
	p0 =	sne.s32 s2, $0x0  }
0xb2: {  	s3 =	rddreg [dreg:$0x2];
	[bflag:$0x3] =	sbarrier.arrive $0xFFFF;
	s2 =	simm.s32 @!p0 $0x1C02  }
0xb3: {  	[timem:s3], [sflag:s2] =	dma.local @!p0 [hbm:s0], s1  }
0xb4: {  	s0 =	simm.s32 @!p0 $0x2  }
0xb5: {  	_ =	swait.ge @!p0 [sflag:s0], s1  }
0xb6: {  	s1 =	ssub.s32 @!p0 $0x0, s1;
	[sflag:s0] =	ssyncset.done @!p0 $0x0  }
0xb7: {  	[sflag:s0] =	ssyncadd.s32 @!p0 s1  }
0xb8: {  	[bflag:$0x3] =	sbarrier.arrive $0xFFFF  }
0xb9: {  	_ =	shalt  }

// kernel: kernel.9.cloned.1.call-start
scs
__scs_entry_jumppad:
0x0: {  	(pc) =	sbr.rel $0x88, $3  }
0x1: {  	(tag) =	ssettag $0x0;
	lr =	simm.s32 $0x1  }
0x2: {  	[smem:$0x3F92] =	sst lr;
	_ =	strace $0xD0000000  }
0x3: {  	_ = 	snop  }
0x4: {  	_ = 	snop  }
0x5: {  	_ = 	snop  }
0x6: {  	_ = 	snop  }
0x7: {  	_ = 	snop  }
__scs_overlays_trampoline_lowered:
0x8: {  	[smem:$0x3FA1] =	sst s0  }
0x9: {  	[smem:$0x3FA2] =	sst s1  }
0xa: {  	[smem:$0x3FA3] =	sst s2  }
0xb: {  	[smem:$0x3FA4] =	sst s3  }
0xc: {  	[smem:$0x3FA5] =	sst s4  }
0xd: {  	[smem:$0x3FA6] =	sst s5  }
0xe: {  	[smem:$0x3FA7] =	sst s6  }
0xf: {  	[smem:$0x3FA8] =	sst s7  }
0x10: {  	[smem:$0x3FA9] =	sst s8  }
0x11: {  	[smem:$0x3FAA] =	sst s9;
	s0 =	simm.s32 @!p0 $0x0  }
0x12: {  	s1 =	sld [smem:$0x3F90];
	s0 =	simm.s32 @p0 $0x1  }
0x13: {  	[smem:$0x3FAB] =	sst s0;
	s0 =	simm.s32 @!p1 $0x0  }
0x14: {  	s2 =	sld [smem:$0x3F8F];
	s0 =	simm.s32 @p1 $0x1  }
0x15: {  	[smem:$0x3FAC] =	sst s0;
	s0 =	simm.s32 @!p2 $0x0  }
0x16: {  	s3 =	sld [smem:$0x3FDB];
	s0 =	simm.s32 @p2 $0x1  }
0x17: {  	s4 =	simm.s32 $0x1BF5;
	[smem:$0x3FAE] =	sst s0  }
0x18: {  	s0 =	sld [smem:$0x3F91];
	_ =	swait.ge [sflag:s4], $0x0  }
0x19: {  	s7 =	sld [smem:$0x3F92]  }
0x1a: {  	s8 =	sadd.s32 $0xFFFFE003, lr  }
0x1b: {  	s9 =	sadd.s32 $0xFFFFFEF7, lr;
	s5 =	simm.s32 $0xFFFFFFFF;
	p2 =	slt.u32 s8, $0xFFFFF086  }
0x1c: {  	p1 =	slt.u32 s9, $0xF7A;
	s5 =	simm.s32 @!p2 $0x0  }
0x1d: {  	s5 =	simm.s32 @p1 $0x1;
	p0 =	seq.s32 s7, s2  }
0x1e: {  	s7 =	smul.u32 @!p0 $0xF7A, s2;
	p2 =	seq.s32 @!p0 s5, $0x0  }
0x1f: {  	s9 =	smul.u32 $0xF7A, s1;
	s8 =	simm.s32 @!p0 $0x1BF5;
	p2 =	por !p2, p0  }
0x20: {  	[sflag:s8] =	ssyncset.s32 @!p0 $0xFFFFF086;
	s6 =	sadd.s32 @!p0 s3, s7;
	s7 =	simm.s32 @!p0 $0x108  }
0x21: {  	s3 =	sadd.s32 s3, s9;
	s6 =	sadd.s32 @!p0 $0x88, s6;
	s7 =	simm.s32 @p2 $0x1082  }
0x22: {  	[simem:s7], [sflag:s8] =	dma.local @!p0 [hbm:s6], $0xF7A  }
0x23: {  	s9 =	sor.u32 $0xD0000000, s2;
	s6 =	simm.s32 $0x108;
	_ =	swait.ge @!p0 [sflag:s8], $0x0  }
0x24: {  	s3 =	sadd.s32 $0x88, s3;
	s6 =	simm.s32 @!p1 $0x1082;
	[sflag:s4] =	ssyncset.s32 $0xFFFFF086  }
0x25: {  	[simem:s6], [sflag:s4] =	dma.local [hbm:s3], $0xF7A  }
0x26: {  	[smem:$0x3F92] =	sst s1;
	(tag) =	ssettag s2;
	_ =	strace s9  }
0x27: {  	s1 =	sld [smem:$0x3FA2]  }
0x28: {  	s2 =	sld [smem:$0x3FA3]  }
0x29: {  	s4 =	sld [smem:$0x3FA5]  }
0x2a: {  	p0 =	seq.s32 s5, $0x0;
	s5 =	sld [smem:$0x3FA6]  }
0x2b: {  	s6 =	sld [smem:$0x3FA7]  }
0x2c: {  	s7 =	sld [smem:$0x3FA8]  }
0x2d: {  	s3 =	simm.s32 $0x108;
	s8 =	sld [smem:$0x3FA9]  }
0x2e: {  	s3 =	simm.s32 @!p0 $0x1082;
	s9 =	sld [smem:$0x3FAA]  }
0x2f: {  	lr =	sadd.s32 s0, s3;
	s0 =	sld [smem:$0x3FA1]  }
0x30: {  	s3 =	sld [smem:$0x3FA4]  }
0x31: {  	[smem:$0x3FAD] =	sst s10  }
0x32: {  	s10 =	sld [smem:$0x3FAB];
	_ =	sdelay $0x3  }
0x33: {  	p0 =	seq.s32 s10, $0x1;
	s10 =	sld [smem:$0x3FAD];
	_ =	sdelay $0x3  }
0x34: {  	[smem:$0x3FAD] =	sst s10  }
0x35: {  	s10 =	sld [smem:$0x3FAC];
	_ =	sdelay $0x3  }
0x36: {  	p1 =	seq.s32 s10, $0x1;
	s10 =	sld [smem:$0x3FAD];
	_ =	sdelay $0x3  }
0x37: {  	[smem:$0x3FAD] =	sst s10  }
0x38: {  	s10 =	sld [smem:$0x3FAE]  }
0x39: {  	_ = 	snop;
	(pc) =	sbr.ind lr, $3  }
0x3a: {  	_ = 	snop  }
0x3b: {  	_ = 	snop  }
0x3c: {  	p2 =	seq.s32 s10, $0x1;
	s10 =	sld [smem:$0x3FAD]  }
0x3d: {  	_ =	shalt  }
0x3e: {  	_ =	shalt  }
0x3f: {  	_ =	shalt  }
0x40: {  	_ =	shalt  }
0x41: {  	_ =	shalt  }
0x42: {  	_ =	shalt  }
0x43: {  	_ =	shalt  }
0x44: {  	_ =	shalt  }
0x45: {  	_ =	shalt  }
0x46: {  	_ =	shalt  }
0x47: {  	_ =	shalt  }
0x48: {  	_ =	shalt  }
0x49: {  	_ =	shalt  }
0x4a: {  	_ =	shalt  }
0x4b: {  	_ =	shalt  }
0x4c: {  	_ =	shalt  }
0x4d: {  	_ =	shalt  }
0x4e: {  	_ =	shalt  }
0x4f: {  	_ =	shalt  }
0x50: {  	_ =	shalt  }
0x51: {  	_ =	shalt  }
0x52: {  	_ =	shalt  }
0x53: {  	_ =	shalt  }
0x54: {  	_ =	shalt  }
0x55: {  	_ =	shalt  }
0x56: {  	_ =	shalt  }
0x57: {  	_ =	shalt  }
0x58: {  	_ =	shalt  }
0x59: {  	_ =	shalt  }
0x5a: {  	_ =	shalt  }
0x5b: {  	_ =	shalt  }
0x5c: {  	_ =	shalt  }
0x5d: {  	_ =	shalt  }
0x5e: {  	_ =	shalt  }
0x5f: {  	_ =	shalt  }
0x60: {  	_ =	shalt  }
0x61: {  	_ =	shalt  }
0x62: {  	_ =	shalt  }
0x63: {  	_ =	shalt  }
0x64: {  	_ =	shalt  }
0x65: {  	_ =	shalt  }
0x66: {  	_ =	shalt  }
0x67: {  	_ =	shalt  }
0x68: {  	_ =	shalt  }
0x69: {  	_ =	shalt  }
0x6a: {  	_ =	shalt  }
0x6b: {  	_ =	shalt  }
0x6c: {  	_ =	shalt  }
0x6d: {  	_ =	shalt  }
0x6e: {  	_ =	shalt  }
0x6f: {  	_ =	shalt  }
0x70: {  	_ =	shalt  }
0x71: {  	_ =	shalt  }
0x72: {  	_ =	shalt  }
0x73: {  	_ =	shalt  }
0x74: {  	_ =	shalt  }
0x75: {  	_ =	shalt  }
0x76: {  	_ =	shalt  }
0x77: {  	_ =	shalt  }
0x78: {  	_ =	shalt  }
0x79: {  	_ =	shalt  }
0x7a: {  	_ =	shalt  }
0x7b: {  	_ =	shalt  }
0x7c: {  	_ =	shalt  }
0x7d: {  	_ =	shalt  }
0x7e: {  	_ =	shalt  }
0x7f: {  	_ =	shalt  }
0x80: {  	_ =	shalt  }
0x81: {  	_ =	shalt  }
0x82: {  	_ =	shalt  }
0x83: {  	_ =	shalt  }
0x84: {  	_ =	shalt  }
0x85: {  	_ =	shalt  }
0x86: {  	_ =	shalt  }
0x87: {  	_ =	shalt  }
.Lfunc_end0:
.L_simem_size_0:
called_computation.1_lowered:
.L_overlay_start_0:
0x88: {  	s2 =	sld [smem:$0x3FD9]  }
0x89: {  	s3 =	sld [smem:$0x3FFE];
	_ =	sdelay $0x1  }
0x8a: {  	s1 =	srdreg.scid  }
0x8b: {  	s0 =	sand.u32 $0x1, s1  }
0x8c: {  	s17 =	sshll.u32 s0, $0xA;
	s2 =	sadd.s32 s3, s2  }
0x8d: {  	s2 =	sadd.s32 s2, s17  }
0x8e: {  	[smem:$0x3FB9] =	sst s2  }
0x8f: {  	_ = 	snop  }
0x90: {  	s2 =	sld [smem:$0x3FD0];
	(tm) =	ssettm $0x1  }
0x91: {  	s18 =	sld [smem:$0x3FFB];
	_ =	sdelay $0x3  }
0x92: {  	_ =	strace s18  }
0x93: {  	s3 =	sld [smem:$0x3FFC];
	_ =	sdelay $0x3  }
0x94: {  	_ =	strace s3  }
0x95: {  	s3 =	sld [smem:$0x3FFD];
	_ =	sdelay $0x3  }
0x96: {  	_ =	strace s3  }
0x97: {  	_ =	strace $0x8FFFFFFF  }
0x98: {  	s19 =	sld [smem:$0x3FDB];
	_ =	sdelay $0x1  }
0x99: {  	s4 =	simm.s32 $_scs_section_size  }
0x9a: {  	s5 =	simm.s32 $_size__tile_overlayer_lowered;
	s6 =	simm.s32 $_tile_overlayer_lowered  }
0x9b: {  	s22 =	simm.s32 $0x1BFF;
	s21 =	sshll.u32 s6, $0x1;
	s3 =	sadd.s32 s4, s19  }
0x9c: {  	s7 =	simm.s32 $0x0;
	s20 =	sshll.u32 s5, $0x1;
	s5 =	sadd.s32 s21, s3  }
0x9d: {  	[timem:s7], [sflag:s22] =	dma.local [hbm:s5], s20  }
0x9e: {  	_ =	swait.ge [sflag:s22], s20  }
0x9f: {  	s4 =	ssub.s32 $0x0, s20;
	[sflag:s22] =	ssyncset.done $0x0  }
0xa0: {  	[sflag:s22] =	ssyncadd.s32 s4;
	_ =	sdelay $0x1  }
0xa1: {  	s23 =	simm.s32 $0x1B8B  }
0xa2: {  	_ =	swait.ge [sflag:s23], $0x1  }
0xa3: {  	[sflag:s23] =	ssyncset.done $0x0  }
0xa4: {  	s25 =	simm.s32 $0x1B8E;
	s24 =	sld [smem:$0x3FFE];
	[sflag:s23] =	ssyncadd.s32 $0xFFFFFFFF  }
0xa5: {  	s26 =	simm.s32 $execute0_lowered;
	[smem:$0x3FD2] =	sst s25  }
0xa6: {  	s5 =	sshll.u32 s26, $0x1;
	_ =	strace $0x80000049;
	[dreg:$0x1] =	wrdreg $0xFFFFFFFF  }
0xa7: {  	s28 =	simm.s32 $_size_execute0_lowered;
	s3 =	sadd.s32 s3, s5;
	[dreg:$0x0] =	wrdreg $0x0  }
0xa8: {  	s5 =	sshll.u32 s28, $0x1;
	[dreg:$0x2] =	wrdreg s3  }
0xa9: {  	[dreg:$0x3] =	wrdreg s5  }
0xaa: {  	[dreg:$0x4] =	wrdreg $0xC0  }
0xab: {  	_ =	task [dreg:s7], $0x5FFFF  }
0xac: {  	[dreg:$0x1] =	wrdreg $0xFFFFFFFF  }
0xad: {  	[dreg:$0x0] =	wrdreg $0x60  }
0xae: {  	[dreg:$0x2] =	wrdreg s24  }
0xaf: {  	[dreg:$0x3] =	wrdreg s2  }
0xb0: {  	[dreg:$0x4] =	wrdreg $0x79000  }
0xb1: {  	[dreg:$0x5] =	wrdreg $0x9  }
0xb2: {  	_ =	task.clear_ibuf [dreg:s7], $0x6FFFF;
	_ =	strace $0x90000049  }
0xb3: {  	s29 =	simm.s32 $0x9;
	_ =	strace $0x8000004B  }
0xb4: {  	_ =	swait.ge [sflag:s29], $0x1  }
0xb5: {  	[sflag:s29] =	ssyncadd.s32 $0xFFFFFFFF  }
0xb6: {  	_ =	strace $0x9000004B  }
0xb7: {  	_ =	sfence  }
0xb8: {  	s30 =	sld [smem:$0x0];
	_ =	sdelay $0x2  }
0xb9: {  	s31 =	sshll.u32 s1, $0xD;
	s1 =	sshrl.u32 s1, $0x2  }
0xba: {  	s3 =	sand.u32 $0x4000, s31;
	s1 =	sadd.s32 s1, s30  }
0xbb: {  	s0 =	sor.u32 s3, s0;
	s1 =	sshll.u32 s1, $0x11  }
0xbc: {  	s0 =	sor.u32 s1, s0  }
0xbd: {  	s0 =	sadd.s32 $0x8F2B, s0  }
0xbe: {  	[sflag:s0] =	ssyncadd.remote.s32 $0x1  }
0xbf: {  	_ =	sfence.sel $0xFFFF  }
0xc0: {  	[dreg:$0x0] =	wrdreg $0xFFFFFFFF;
	(pc) =	sbr.abs _section_cstart, $3  }
0xc1: {  	[dreg:$0x1] =	wrdreg $0xFFFFFFFF  }
0xc2: {  	_ =	task.clear_ibuf [dreg:s7], $0x2FFFF;
	_ =	strace $0x9FFFFFFF  }
0xc3: {  	(tm) =	ssettm $0x7FFFFFFF  }
tec
execute0_lowered:
.L_overlay_start_1:
0x0: {  	(tag) =	ssettag $0x1  }
0x1: {  	s0 =	rddreg [dreg:$0x0]  }
0x2: {  	s2 =	rddreg [dreg:$0x1]  }
0x3: {  	s1 =	rddreg [dreg:$0x2]  }
0x4: {  	s3 =	simm.s32 $0x0;
	s4 =	srdreg.scid;
	s19 =	stileid.u32  }
0x5: {  	s28 =	simm.s32 $0x1;
	s29 =	simm.s32 $0x100;
	s5 =	smul.u32 $0x14000, s19  }
0x6: {  	s30 =	simm.s32 $0xC8;
	s31 =	simm.s32 $0x0;
	s14 =	smul.u32 $0x50000, s19  }
0x7: {  	[smem:$0x7FF] =	sst s3;
	s4 =	sand.u32 $0x1, s4;
	s22 =	smul.u32 $0x138800, s19  }
0x8: {  	s24 =	sadd.s32 $0xB08C00, s0;
	s0 =	sadd.s32 $0x2400, s0;
	s23 =	smul.u32 $0x4E2, s19  }
0x9: {  	_ =	strace $0x8000004A;
	s6 =	ssub.s32 $0x2, s4;
	s7 =	smul.u32 $0x280000, s4  }
0xa: {  	s8 =	sshllo.u32 s4, $0x1;
	s4 =	smul.u32 $0x2710000, s4;
	s9 =	sshrl.u32 s6, $0x1  }
0xb: {  	s8 =	smul.u32 $0x140000, s8;
	s6 =	ssub.s32 s6, s9;
	s7 =	sadd.s32 s5, s7  }
0xc: {  	s15 =	sshrl.u32 s14, $0x2;
	s7 =	sshrl.u32 s7, $0x3;
	s18 =	smax.u32 s6, $0x1  }
0xd: {  	s5 =	sadd.s32 s5, s8;
	s17 =	sadd.s32 s0, s7;
	[dreg:$0x6] =	wrdreg s18  }
0xe: {  	s16 =	sshrl.u32 s5, $0x3;
	s5 =	sadd.s32 s15, s1;
	[dreg:$0x4] =	wrdreg s17  }
0xf: {  	s0 =	sadd.s32 s0, s16;
	s8 =	sadd.s32 $0x1400, s5;
	s9 =	sadd.s32 $0x2800, s5  }
0x10: {  	s20 =	sadd.s32 $0x3C00, s5;
	s21 =	sadd.s32 $0x5000, s5;
	s12 =	sadd.s32 $0x6400, s5  }
0x11: {  	s13 =	sadd.s32 $0x7800, s5;
	s14 =	sadd.s32 $0x8C00, s5;
	s15 =	sadd.s32 $0xA000, s5  }
0x12: {  	s16 =	sadd.s32 $0xB400, s5;
	s17 =	sadd.s32 $0xC800, s5;
	[dreg:$0x5] =	wrdreg s0  }
0x13: {  	s18 =	sadd.s32 $0xDC00, s5;
	s19 =	sadd.s32 $0xF000, s5;
	[dreg:$0x7] =	wrdreg s20  }
0x14: {  	[dreg:$0x8] =	wrdreg s21;
	s0 =	sadd.s32 s22, s4;
	s20 =	sadd.s32 $0x10400, s5  }
0x15: {  	s21 =	sadd.s32 s23, s2;
	s25 =	sadd.s32 $0x1388000, s0;
	s0 =	sshrl.u32 s0, $0x3  }
0x16: {  	s22 =	sadd.s32 $0x11800, s5;
	s26 =	sshrl.u32 s25, $0x3;
	s23 =	sadd.s32 s0, s24  }
0x17: {  	v0 =	vimm.f32 $0.0e+00;
	s25 =	sadd.s32 $0x12C00, s5;
	s24 =	sadd.s32 s26, s24;
	s26 =	simm.s32 $0x6500  }
.LBB2_1:
0x18: {  	s0 =	sand.u32 $0x7E00, s3  }
0x19: {  	s2 =	sand.u32 $0x70, s3;
	s4 =	sshrl.u32 s0, $0x2  }
0x1a: {  	s0 =	simm.s32 $0x40;
	s4 =	sor.u32 s2, s4;
	s2 =	simm.s32 $0x0  }
.LBB2_2:
0x1b: {  	p0 =	sne.s32 s0, $0x4FC0  }
0x1c: {  	[tilespmem:s4+$0x6500] =	vst v0;
	s2 =	sadd.s32 $0x10, s2;
	s4 =	smov.u32 s0;
	s0 =	sadd.s32 $0x40, s0  }
.Ltmp0:
0x1d: {  	(pc) =	sbr.rel @p0 .LBB2_2-.Ltmp0, $4  }
0x1e: {  	_ = 	snop  }
0x1f: {  	s4 =	sand.u32 $0x7E00, s4  }
0x20: {  	s6 =	sand.u32 $0x70, s2;
	s4 =	sshrl.u32 s4, $0x2  }
0x21: {  	s4 =	sor.u32 s6, s4  }
0x22: {  	[tilespmem:s4+$0x6500] =	vst v0  }
0x23: {  	[spmem:s5] =	stream.linear.scatter [tilespmem:s26], [sflag:$0x1], $0x1400, $0x38;
	[tilespmem:$0x1B900] =	vst v63  }
0x24: {  	_ =	swait.ge [sflag:s28], $0x1400  }
0x25: {  	[sflag:s28] =	ssyncset.done $0x0  }
0x26: {  	[sflag:s28] =	ssyncadd.s32 $0xFFFFEC00  }
0x27: {  	[spmem:s8] =	stream.linear.scatter [tilespmem:s26], [sflag:$0x1], $0x1400, $0x38;
	[tilespmem:$0x1B900] =	vst v63  }
0x28: {  	_ =	swait.ge [sflag:s28], $0x1400  }
0x29: {  	[sflag:s28] =	ssyncset.done $0x0  }
0x2a: {  	[sflag:s28] =	ssyncadd.s32 $0xFFFFEC00  }
0x2b: {  	[spmem:s9] =	stream.linear.scatter [tilespmem:s26], [sflag:$0x1], $0x1400, $0x38;
	[tilespmem:$0x1B900] =	vst v63  }
0x2c: {  	_ =	swait.ge [sflag:s28], $0x1400  }
0x2d: {  	[sflag:s28] =	ssyncset.done $0x0  }
0x2e: {  	s0 =	rddreg [dreg:$0x7];
	[sflag:s28] =	ssyncadd.s32 $0xFFFFEC00  }
0x2f: {  	[spmem:s0] =	stream.linear.scatter [tilespmem:s26], [sflag:$0x1], $0x1400, $0x38;
	[tilespmem:$0x1B900] =	vst v63  }
0x30: {  	_ =	swait.ge [sflag:s28], $0x1400  }
0x31: {  	[sflag:s28] =	ssyncset.done $0x0  }
0x32: {  	s10 =	rddreg [dreg:$0x8];
	[sflag:s28] =	ssyncadd.s32 $0xFFFFEC00  }
0x33: {  	[spmem:s10] =	stream.linear.scatter [tilespmem:s26], [sflag:$0x1], $0x1400, $0x38;
	[tilespmem:$0x1B900] =	vst v63  }
0x34: {  	_ =	swait.ge [sflag:s28], $0x1400  }
0x35: {  	[sflag:s28] =	ssyncset.done $0x0  }
0x36: {  	[sflag:s28] =	ssyncadd.s32 $0xFFFFEC00  }
0x37: {  	[spmem:s12] =	stream.linear.scatter [tilespmem:s26], [sflag:$0x1], $0x1400, $0x38;
	[tilespmem:$0x1B900] =	vst v63  }
0x38: {  	_ =	swait.ge [sflag:s28], $0x1400  }
0x39: {  	[sflag:s28] =	ssyncset.done $0x0  }
0x3a: {  	[sflag:s28] =	ssyncadd.s32 $0xFFFFEC00  }
0x3b: {  	[spmem:s13] =	stream.linear.scatter [tilespmem:s26], [sflag:$0x1], $0x1400, $0x38;
	[tilespmem:$0x1B900] =	vst v63  }
0x3c: {  	_ =	swait.ge [sflag:s28], $0x1400  }
0x3d: {  	[sflag:s28] =	ssyncset.done $0x0  }
0x3e: {  	[sflag:s28] =	ssyncadd.s32 $0xFFFFEC00  }
0x3f: {  	[spmem:s14] =	stream.linear.scatter [tilespmem:s26], [sflag:$0x1], $0x1400, $0x38;
	[tilespmem:$0x1B900] =	vst v63  }
0x40: {  	_ =	swait.ge [sflag:s28], $0x1400  }
0x41: {  	[sflag:s28] =	ssyncset.done $0x0  }
0x42: {  	[sflag:s28] =	ssyncadd.s32 $0xFFFFEC00  }
0x43: {  	[spmem:s15] =	stream.linear.scatter [tilespmem:s26], [sflag:$0x1], $0x1400, $0x38;
	[tilespmem:$0x1B900] =	vst v63  }
0x44: {  	_ =	swait.ge [sflag:s28], $0x1400  }
0x45: {  	[sflag:s28] =	ssyncset.done $0x0  }
0x46: {  	[sflag:s28] =	ssyncadd.s32 $0xFFFFEC00  }
0x47: {  	[spmem:s16] =	stream.linear.scatter [tilespmem:s26], [sflag:$0x1], $0x1400, $0x38;
	[tilespmem:$0x1B900] =	vst v63  }
0x48: {  	_ =	swait.ge [sflag:s28], $0x1400  }
0x49: {  	[sflag:s28] =	ssyncset.done $0x0  }
0x4a: {  	[sflag:s28] =	ssyncadd.s32 $0xFFFFEC00  }
0x4b: {  	[spmem:s17] =	stream.linear.scatter [tilespmem:s26], [sflag:$0x1], $0x1400, $0x38;
	[tilespmem:$0x1B900] =	vst v63  }
0x4c: {  	_ =	swait.ge [sflag:s28], $0x1400  }
0x4d: {  	[sflag:s28] =	ssyncset.done $0x0  }
0x4e: {  	[sflag:s28] =	ssyncadd.s32 $0xFFFFEC00  }
0x4f: {  	[spmem:s18] =	stream.linear.scatter [tilespmem:s26], [sflag:$0x1], $0x1400, $0x38;
	[tilespmem:$0x1B900] =	vst v63  }
0x50: {  	_ =	swait.ge [sflag:s28], $0x1400  }
0x51: {  	[sflag:s28] =	ssyncset.done $0x0  }
0x52: {  	[sflag:s28] =	ssyncadd.s32 $0xFFFFEC00  }
0x53: {  	[spmem:s19] =	stream.linear.scatter [tilespmem:s26], [sflag:$0x1], $0x1400, $0x38;
	[tilespmem:$0x1B900] =	vst v63  }
0x54: {  	_ =	swait.ge [sflag:s28], $0x1400  }
0x55: {  	[sflag:s28] =	ssyncset.done $0x0  }
0x56: {  	[sflag:s28] =	ssyncadd.s32 $0xFFFFEC00  }
0x57: {  	[spmem:s20] =	stream.linear.scatter [tilespmem:s26], [sflag:$0x1], $0x1400, $0x38;
	[tilespmem:$0x1B900] =	vst v63  }
0x58: {  	_ =	swait.ge [sflag:s28], $0x1400  }
0x59: {  	[sflag:s28] =	ssyncset.done $0x0  }
0x5a: {  	[sflag:s28] =	ssyncadd.s32 $0xFFFFEC00  }
0x5b: {  	[spmem:s22] =	stream.linear.scatter [tilespmem:s26], [sflag:$0x1], $0x1400, $0x38;
	[tilespmem:$0x1B900] =	vst v63  }
0x5c: {  	_ =	swait.ge [sflag:s28], $0x1400  }
0x5d: {  	[sflag:s28] =	ssyncset.done $0x0  }
0x5e: {  	[sflag:s28] =	ssyncadd.s32 $0xFFFFEC00  }
0x5f: {  	[spmem:s25] =	stream.linear.scatter [tilespmem:s26], [sflag:$0x1], $0x1400, $0x38;
	[tilespmem:$0x1B900] =	vst v63  }
0x60: {  	_ =	swait.ge [sflag:s28], $0x1400  }
0x61: {  	[sflag:s28] =	ssyncset.done $0x0  }
0x62: {  	[sflag:s28] =	ssyncadd.s32 $0xFFFFEC00  }
0x63: {  	s11 =	sadd.s32 $0x0, s21;
	[bflag:$0x0] =	sbarrier.arrive $0xFFFF  }
0x64: {  	[tilespmem:s3], [sflag:$0x1] =	stream.linear.gather [hbm4b:s11+s3], $0xC8, $0x38;
	[tilespmem:$0x1B900] =	vst v63  }
0x65: {  	_ =	swait.ge [sflag:s28], $0xC8  }
0x66: {  	[sflag:s28] =	ssyncset.done $0x0  }
0x67: {  	[sflag:s28] =	ssyncadd.s32 $0xFFFFFF38  }
0x68: {  	[tilespmem:s29], [sflag:$0x1] =	stream.linear.gather [hbm4b:s23+s3], $0x6400, $0x38;
	[tilespmem:$0x1B900] =	vst v63  }
0x69: {  	_ =	swait.ge [sflag:s28], $0x6400  }
0x6a: {  	[sflag:s28] =	ssyncset.done $0x0  }
0x6b: {  	[sflag:s28] =	ssyncadd.s32 $0xFFFF9C00  }
0x6c: {  	[spmem:s1] =	stream.indirect.scatter.add.f32 [tilespmem:s29], [sflag:$0x1], $0x80, s3, s30, $0xb8;
	[tilespmem:$0x1B900] =	vst v63  }
0x6d: {  	s2 =	simm.s32 $0x19;
	_ =	swait.ge [sflag:s28], $0x6400  }
0x6e: {  	s4 =	simm.s32 $0x32;
	s0 =	sadd.s32 $0xC80, s23;
	[sflag:s28] =	ssyncset.done $0x0  }
.LBB2_4:
0x6f: {  	s6 =	sadd.s32 s2, s21  }
0x70: {  	[sflag:s28] =	ssyncadd.s32 $0xFFFF9C00;
	s2 =	smov.u32 s4;
	s7 =	sadd.s32 $0x19, s4  }
0x71: {  	[tilespmem:s3], [sflag:$0x1] =	stream.linear.gather [hbm4b:s6+s3], $0xC8, $0x38;
	[tilespmem:$0x1B900] =	vst v63  }
0x72: {  	p0 =	sne.s32 s4, $0x4C9;
	_ =	swait.ge [sflag:s28], $0xC8  }
0x73: {  	[sflag:s28] =	ssyncset.done $0x0  }
0x74: {  	[sflag:s28] =	ssyncadd.s32 $0xFFFFFF38  }
0x75: {  	[tilespmem:s29], [sflag:$0x1] =	stream.linear.gather [hbm4b:s0+s3], $0x6400, $0x38;
	[tilespmem:$0x1B900] =	vst v63  }
0x76: {  	_ =	swait.ge [sflag:s28], $0x6400  }
.Ltmp1:
0x77: {  	[sflag:s28] =	ssyncset.done $0x0;
	(pc) =	sbr.rel @p0 .LBB2_4-.Ltmp1, $4  }
0x78: {  	[sflag:s28] =	ssyncadd.s32 $0xFFFF9C00  }
0x79: {  	[spmem:s1] =	stream.indirect.scatter.add.f32 [tilespmem:s29], [sflag:$0x1], $0x80, s3, s30, $0xb8;
	[tilespmem:$0x1B900] =	vst v63  }
0x7a: {  	_ =	swait.ge [sflag:s28], $0x6400  }
0x7b: {  	s4 =	smov.u32 s7;
	s0 =	sadd.s32 $0xC80, s0;
	[sflag:s28] =	ssyncset.done $0x0  }
0x7c: {  	s2 =	sadd.s32 s2, s21;
	[sflag:s28] =	ssyncadd.s32 $0xFFFF9C00  }
0x7d: {  	[tilespmem:s3], [sflag:$0x1] =	stream.linear.gather [hbm4b:s2+s3], $0xC8, $0x38;
	[tilespmem:$0x1B900] =	vst v63  }
0x7e: {  	_ =	swait.ge [sflag:s28], $0xC8  }
0x7f: {  	[sflag:s28] =	ssyncset.done $0x0  }
0x80: {  	[sflag:s28] =	ssyncadd.s32 $0xFFFFFF38  }
0x81: {  	[tilespmem:s29], [sflag:$0x1] =	stream.linear.gather [hbm4b:s0+s3], $0x6400, $0x38;
	[tilespmem:$0x1B900] =	vst v63  }
0x82: {  	_ =	swait.ge [sflag:s28], $0x6400  }
0x83: {  	[sflag:s28] =	ssyncset.done $0x0  }
0x84: {  	[sflag:s28] =	ssyncadd.s32 $0xFFFF9C00  }
0x85: {  	[spmem:s1] =	stream.indirect.scatter.add.f32 [tilespmem:s29], [sflag:$0x1], $0x80, s3, s30, $0xb8;
	[tilespmem:$0x1B900] =	vst v63  }
0x86: {  	_ =	swait.ge [sflag:s28], $0x6400  }
0x87: {  	[sflag:s28] =	ssyncset.done $0x0  }
0x88: {  	s6 =	stileid.u32;
	[sflag:s28] =	ssyncadd.s32 $0xFFFF9C00  }
0x89: {  	s0 =	sshll.u32 s6, $0x6;
	[bflag:$0x0] =	sbarrier.arrive $0xFFFF  }
0x8a: {  	s2 =	sshrl.u32 s5, $0x3;
	s0 =	sor.u32 $0x1C01, s0;
	s4 =	rddreg [dreg:$0x4]  }
0x8b: {  	[hbm:s4], [sflag:s0] =	dma.local [spmem:s2], $0x2800  }
0x8c: {  	_ =	swait.ge [sflag:s28], $0x2800  }
0x8d: {  	[sflag:s28] =	ssyncset.done $0x0  }
0x8e: {  	[sflag:s28] =	ssyncadd.s32 $0xFFFFD800  }
0x8f: {  	[bflag:$0x0] =	sbarrier.arrive $0xFFFF  }
0x90: {  	[spmem:s5] =	stream.linear.scatter [tilespmem:s26], [sflag:$0x1], $0x1400, $0x38;
	[tilespmem:$0x1B900] =	vst v63  }
0x91: {  	_ =	swait.ge [sflag:s28], $0x1400  }
0x92: {  	[sflag:s28] =	ssyncset.done $0x0  }
0x93: {  	[sflag:s28] =	ssyncadd.s32 $0xFFFFEC00  }
0x94: {  	[spmem:s8] =	stream.linear.scatter [tilespmem:s26], [sflag:$0x1], $0x1400, $0x38;
	[tilespmem:$0x1B900] =	vst v63  }
0x95: {  	_ =	swait.ge [sflag:s28], $0x1400  }
0x96: {  	[sflag:s28] =	ssyncset.done $0x0  }
0x97: {  	[sflag:s28] =	ssyncadd.s32 $0xFFFFEC00  }
0x98: {  	[spmem:s9] =	stream.linear.scatter [tilespmem:s26], [sflag:$0x1], $0x1400, $0x38;
	[tilespmem:$0x1B900] =	vst v63  }
0x99: {  	_ =	swait.ge [sflag:s28], $0x1400  }
0x9a: {  	[sflag:s28] =	ssyncset.done $0x0  }
0x9b: {  	s7 =	rddreg [dreg:$0x7];
	[sflag:s28] =	ssyncadd.s32 $0xFFFFEC00  }
0x9c: {  	[spmem:s7] =	stream.linear.scatter [tilespmem:s26], [sflag:$0x1], $0x1400, $0x38;
	[tilespmem:$0x1B900] =	vst v63  }
0x9d: {  	_ =	swait.ge [sflag:s28], $0x1400  }
0x9e: {  	[sflag:s28] =	ssyncset.done $0x0  }
0x9f: {  	s10 =	smov.u32 s8;
	s8 =	rddreg [dreg:$0x8];
	[sflag:s28] =	ssyncadd.s32 $0xFFFFEC00  }
0xa0: {  	[spmem:s8] =	stream.linear.scatter [tilespmem:s26], [sflag:$0x1], $0x1400, $0x38;
	[tilespmem:$0x1B900] =	vst v63  }
0xa1: {  	_ =	swait.ge [sflag:s28], $0x1400  }
0xa2: {  	[sflag:s28] =	ssyncset.done $0x0  }
0xa3: {  	[sflag:s28] =	ssyncadd.s32 $0xFFFFEC00  }
0xa4: {  	[spmem:s12] =	stream.linear.scatter [tilespmem:s26], [sflag:$0x1], $0x1400, $0x38;
	[tilespmem:$0x1B900] =	vst v63  }
0xa5: {  	_ =	swait.ge [sflag:s28], $0x1400  }
0xa6: {  	[sflag:s28] =	ssyncset.done $0x0  }
0xa7: {  	[sflag:s28] =	ssyncadd.s32 $0xFFFFEC00  }
0xa8: {  	[spmem:s13] =	stream.linear.scatter [tilespmem:s26], [sflag:$0x1], $0x1400, $0x38;
	[tilespmem:$0x1B900] =	vst v63  }
0xa9: {  	_ =	swait.ge [sflag:s28], $0x1400  }
0xaa: {  	[sflag:s28] =	ssyncset.done $0x0  }
0xab: {  	[sflag:s28] =	ssyncadd.s32 $0xFFFFEC00  }
0xac: {  	[spmem:s14] =	stream.linear.scatter [tilespmem:s26], [sflag:$0x1], $0x1400, $0x38;
	[tilespmem:$0x1B900] =	vst v63  }
0xad: {  	_ =	swait.ge [sflag:s28], $0x1400  }
0xae: {  	[sflag:s28] =	ssyncset.done $0x0  }
0xaf: {  	[sflag:s28] =	ssyncadd.s32 $0xFFFFEC00  }
0xb0: {  	[spmem:s15] =	stream.linear.scatter [tilespmem:s26], [sflag:$0x1], $0x1400, $0x38;
	[tilespmem:$0x1B900] =	vst v63  }
0xb1: {  	_ =	swait.ge [sflag:s28], $0x1400  }
0xb2: {  	[sflag:s28] =	ssyncset.done $0x0  }
0xb3: {  	[sflag:s28] =	ssyncadd.s32 $0xFFFFEC00  }
0xb4: {  	[spmem:s16] =	stream.linear.scatter [tilespmem:s26], [sflag:$0x1], $0x1400, $0x38;
	[tilespmem:$0x1B900] =	vst v63  }
0xb5: {  	_ =	swait.ge [sflag:s28], $0x1400  }
0xb6: {  	[sflag:s28] =	ssyncset.done $0x0  }
0xb7: {  	[sflag:s28] =	ssyncadd.s32 $0xFFFFEC00  }
0xb8: {  	[spmem:s17] =	stream.linear.scatter [tilespmem:s26], [sflag:$0x1], $0x1400, $0x38;
	[tilespmem:$0x1B900] =	vst v63  }
0xb9: {  	_ =	swait.ge [sflag:s28], $0x1400  }
0xba: {  	[sflag:s28] =	ssyncset.done $0x0  }
0xbb: {  	[sflag:s28] =	ssyncadd.s32 $0xFFFFEC00  }
0xbc: {  	[spmem:s18] =	stream.linear.scatter [tilespmem:s26], [sflag:$0x1], $0x1400, $0x38;
	[tilespmem:$0x1B900] =	vst v63  }
0xbd: {  	_ =	swait.ge [sflag:s28], $0x1400  }
0xbe: {  	[sflag:s28] =	ssyncset.done $0x0  }
0xbf: {  	[sflag:s28] =	ssyncadd.s32 $0xFFFFEC00  }
0xc0: {  	[spmem:s19] =	stream.linear.scatter [tilespmem:s26], [sflag:$0x1], $0x1400, $0x38;
	[tilespmem:$0x1B900] =	vst v63  }
0xc1: {  	_ =	swait.ge [sflag:s28], $0x1400  }
0xc2: {  	[sflag:s28] =	ssyncset.done $0x0  }
0xc3: {  	[sflag:s28] =	ssyncadd.s32 $0xFFFFEC00  }
0xc4: {  	[spmem:s20] =	stream.linear.scatter [tilespmem:s26], [sflag:$0x1], $0x1400, $0x38;
	[tilespmem:$0x1B900] =	vst v63  }
0xc5: {  	_ =	swait.ge [sflag:s28], $0x1400  }
0xc6: {  	[sflag:s28] =	ssyncset.done $0x0  }
0xc7: {  	[sflag:s28] =	ssyncadd.s32 $0xFFFFEC00  }
0xc8: {  	[spmem:s22] =	stream.linear.scatter [tilespmem:s26], [sflag:$0x1], $0x1400, $0x38;
	[tilespmem:$0x1B900] =	vst v63  }
0xc9: {  	_ =	swait.ge [sflag:s28], $0x1400  }
0xca: {  	[sflag:s28] =	ssyncset.done $0x0  }
0xcb: {  	[sflag:s28] =	ssyncadd.s32 $0xFFFFEC00  }
0xcc: {  	[spmem:s25] =	stream.linear.scatter [tilespmem:s26], [sflag:$0x1], $0x1400, $0x38;
	[tilespmem:$0x1B900] =	vst v63  }
0xcd: {  	_ =	swait.ge [sflag:s28], $0x1400  }
0xce: {  	[sflag:s28] =	ssyncset.done $0x0  }
0xcf: {  	[sflag:s28] =	ssyncadd.s32 $0xFFFFEC00  }
0xd0: {  	s11 =	smov.u32 s9;
	s9 =	sadd.s32 $0x0, s21;
	[bflag:$0x0] =	sbarrier.arrive $0xFFFF  }
0xd1: {  	[tilespmem:s3], [sflag:$0x1] =	stream.linear.gather [hbm4b:s9+s3], $0xC8, $0x38;
	[tilespmem:$0x1B900] =	vst v63  }
0xd2: {  	_ =	swait.ge [sflag:s28], $0xC8  }
0xd3: {  	[sflag:s28] =	ssyncset.done $0x0  }
0xd4: {  	[sflag:s28] =	ssyncadd.s32 $0xFFFFFF38  }
0xd5: {  	[tilespmem:s29], [sflag:$0x1] =	stream.linear.gather [hbm4b:s24+s3], $0x6400, $0x38;
	[tilespmem:$0x1B900] =	vst v63  }
0xd6: {  	_ =	swait.ge [sflag:s28], $0x6400  }
0xd7: {  	[sflag:s28] =	ssyncset.done $0x0  }
0xd8: {  	[sflag:s28] =	ssyncadd.s32 $0xFFFF9C00  }
0xd9: {  	[spmem:s1] =	stream.indirect.scatter.add.f32 [tilespmem:s29], [sflag:$0x1], $0x80, s3, s30, $0xb8;
	[tilespmem:$0x1B900] =	vst v63  }
0xda: {  	s6 =	simm.s32 $0x19;
	_ =	swait.ge [sflag:s28], $0x6400  }
0xdb: {  	s4 =	sadd.s32 $0xC80, s24;
	s7 =	simm.s32 $0x32;
	[sflag:s28] =	ssyncset.done $0x0  }
.LBB2_6:
0xdc: {  	s8 =	sadd.s32 s6, s21  }
0xdd: {  	[sflag:s28] =	ssyncadd.s32 $0xFFFF9C00;
	s6 =	smov.u32 s7;
	s9 =	sadd.s32 $0x19, s7  }
0xde: {  	[tilespmem:s3], [sflag:$0x1] =	stream.linear.gather [hbm4b:s8+s3], $0xC8, $0x38;
	[tilespmem:$0x1B900] =	vst v63  }
0xdf: {  	p0 =	sne.s32 s7, $0x4C9;
	_ =	swait.ge [sflag:s28], $0xC8  }
0xe0: {  	[sflag:s28] =	ssyncset.done $0x0  }
0xe1: {  	[sflag:s28] =	ssyncadd.s32 $0xFFFFFF38  }
0xe2: {  	[tilespmem:s29], [sflag:$0x1] =	stream.linear.gather [hbm4b:s4+s3], $0x6400, $0x38;
	[tilespmem:$0x1B900] =	vst v63  }
0xe3: {  	_ =	swait.ge [sflag:s28], $0x6400  }
.Ltmp2:
0xe4: {  	[sflag:s28] =	ssyncset.done $0x0;
	(pc) =	sbr.rel @p0 .LBB2_6-.Ltmp2, $4  }
0xe5: {  	[sflag:s28] =	ssyncadd.s32 $0xFFFF9C00  }
0xe6: {  	[spmem:s1] =	stream.indirect.scatter.add.f32 [tilespmem:s29], [sflag:$0x1], $0x80, s3, s30, $0xb8;
	[tilespmem:$0x1B900] =	vst v63  }
0xe7: {  	_ =	swait.ge [sflag:s28], $0x6400  }
0xe8: {  	s7 =	smov.u32 s9;
	s4 =	sadd.s32 $0xC80, s4;
	[sflag:s28] =	ssyncset.done $0x0  }
0xe9: {  	s6 =	sadd.s32 s6, s21;
	[sflag:s28] =	ssyncadd.s32 $0xFFFF9C00  }
0xea: {  	[tilespmem:s3], [sflag:$0x1] =	stream.linear.gather [hbm4b:s6+s3], $0xC8, $0x38;
	[tilespmem:$0x1B900] =	vst v63  }
0xeb: {  	_ =	swait.ge [sflag:s28], $0xC8  }
0xec: {  	[sflag:s28] =	ssyncset.done $0x0  }
0xed: {  	[sflag:s28] =	ssyncadd.s32 $0xFFFFFF38  }
0xee: {  	[tilespmem:s29], [sflag:$0x1] =	stream.linear.gather [hbm4b:s4+s3], $0x6400, $0x38;
	[tilespmem:$0x1B900] =	vst v63  }
0xef: {  	_ =	swait.ge [sflag:s28], $0x6400  }
0xf0: {  	[sflag:s28] =	ssyncset.done $0x0  }
0xf1: {  	[sflag:s28] =	ssyncadd.s32 $0xFFFF9C00  }
0xf2: {  	[spmem:s1] =	stream.indirect.scatter.add.f32 [tilespmem:s29], [sflag:$0x1], $0x80, s3, s30, $0xb8;
	[tilespmem:$0x1B900] =	vst v63  }
0xf3: {  	_ =	swait.ge [sflag:s28], $0x6400  }
0xf4: {  	[sflag:s28] =	ssyncset.done $0x0  }
0xf5: {  	[sflag:s28] =	ssyncadd.s32 $0xFFFF9C00  }
0xf6: {  	[bflag:$0x0] =	sbarrier.arrive $0xFFFF  }
0xf7: {  	s8 =	rddreg [dreg:$0x5]  }
0xf8: {  	[hbm:s8], [sflag:s0] =	dma.local [spmem:s2], $0x2800  }
0xf9: {  	_ =	swait.ge [sflag:s28], $0x2800  }
0xfa: {  	s31 =	sadd.s32 $0x1, s31;
	s9 =	rddreg [dreg:$0x6]  }
0xfb: {  	p0 =	sne.s32 s31, s9  }
.Ltmp3:
0xfc: {  	_ = 	snop;
	(pc) =	sbr.rel @p0 .LBB2_1-.Ltmp3, $4  }
0xfd: {  	[sflag:s28] =	ssyncset.done $0x0  }
0xfe: {  	[sflag:s28] =	ssyncadd.s32 $0xFFFFD800  }
0xff: {  	[bflag:$0x0] =	sbarrier.arrive $0xFFFF  }
0x100: {  	s8 =	smov.u32 s10;
	s9 =	smov.u32 s11  }
0x101: {  	_ =	sfence.sel $0x180000  }
0x102: {  	[bflag:$0x0] =	sbarrier.arrive $0xFFFF  }
0x103: {  	_ =	strace $0x9000004A  }
0x104: {  	s0 =	stileid.u32;
	[bflag:$0x2] =	sbarrier.arrive $0xFFFF  }
0x105: {  	p0 =	sne.s32 s0, $0x0;
	s0 =	rddreg [dreg:$0x3]  }
0x106: {  	s0 =	sadd.s32 @!p0 $0x100000, s0  }
0x107: {  	[sflag:s0] =	ssyncadd.tile.s32 @!p0 $0x1;
	_ =	shalt  }
.Lfunc_end2:
_tile_overlayer_lowered:
.L_overlay_start_2:
0x108: {  	(tag) =	ssettag $0x2  }
0x109: {  	s0 =	rddreg [dreg:$0x0];
	s2 =	stileid.u32  }
0x10a: {  	s1 =	rddreg [dreg:$0x1];
	p0 =	sne.s32 s2, $0x0  }
0x10b: {  	s3 =	rddreg [dreg:$0x2];
	[bflag:$0x3] =	sbarrier.arrive $0xFFFF;
	s2 =	simm.s32 @!p0 $0x1C01  }
0x10c: {  	[timem:s3], [sflag:s2] =	dma.local @!p0 [hbm:s0], s1  }
0x10d: {  	s0 =	simm.s32 @!p0 $0x1  }
0x10e: {  	_ =	swait.ge @!p0 [sflag:s0], s1  }
0x10f: {  	s1 =	ssub.s32 @!p0 $0x0, s1;
	[sflag:s0] =	ssyncset.done @!p0 $0x0  }
0x110: {  	[sflag:s0] =	ssyncadd.s32 @!p0 s1  }
0x111: {  	[bflag:$0x3] =	sbarrier.arrive $0xFFFF  }
0x112: {  	_ =	shalt  }

</sc_bundles>
